<compile_context>
chip_gen: v7x
topology: tpu7x:2x2x1
jax: 0.10.2.dev20260603
libtpu: 0.0.44.dev20260713+nightly
codegen_flags: <defaults>
</compile_context>

<pallas_src>
import functools

import jax
import jax.numpy as jnp
from jax import lax
from jax.experimental import pallas as pl
from jax.experimental.pallas import tpu as pltpu
from jax.experimental.pallas import tpu_sc as plsc

B = 8
N = 4096
S = 1024
K = 32
EPS = 1e-5
C_IN = 67
C_PAD = 128
NROWS = B * S * K

BIG_F = 3e38



def _fps_kernel(xt_ref, cxyz_ref):
    x0 = xt_ref[0]
    x1 = xt_ref[1]
    x2 = xt_ref[2]
    iota_n = lax.broadcasted_iota(jnp.int32, (B, N), 1)
    iota_s = lax.broadcasted_iota(jnp.int32, (B, S), 1)

    lx0 = x0[:, 0:1]
    ly0 = x1[:, 0:1]
    lz0 = x2[:, 0:1]
    dists0 = jnp.full((B, N), 1e10, dtype=jnp.float32)
    sel0 = iota_s == 0
    cx0 = jnp.where(sel0, lx0, 0.0)
    cy0 = jnp.where(sel0, ly0, 0.0)
    cz0 = jnp.where(sel0, lz0, 0.0)

    def body(i, carry):
        dists, cxs, cys, czs, lx, ly, lz = carry
        d = ((x0 - lx) ** 2 + (x2 - lz) ** 2) + (x1 - ly) ** 2
        dists = jnp.minimum(dists, d)
        mv = jnp.max(dists, axis=1, keepdims=True)
        nxt = jnp.min(jnp.where(dists == mv, iota_n, N), axis=1, keepdims=True)
        picked = iota_n == nxt
        nlx = jnp.sum(jnp.where(picked, x0, 0.0), axis=1, keepdims=True)
        nly = jnp.sum(jnp.where(picked, x1, 0.0), axis=1, keepdims=True)
        nlz = jnp.sum(jnp.where(picked, x2, 0.0), axis=1, keepdims=True)
        reci = iota_s == i
        cxs = jnp.where(reci, nlx, cxs)
        cys = jnp.where(reci, nly, cys)
        czs = jnp.where(reci, nlz, czs)
        return (dists, cxs, cys, czs, nlx, nly, nlz)

    carry = (dists0, cx0, cy0, cz0, lx0, ly0, lz0)
    _, cxs, cys, czs, _, _, _ = lax.fori_loop(1, S, body, carry)
    cxyz_ref[0] = cxs
    cxyz_ref[1] = cys
    cxyz_ref[2] = czs


def _run_fps(xyz):
    xt = jnp.transpose(xyz, (2, 0, 1))
    cxyz = pl.pallas_call(
        _fps_kernel,
        out_shape=jax.ShapeDtypeStruct((3, B, S), jnp.float32),
    )(xt)
    return cxyz



SBLK = 128


def _knn_kernel(x_ref, c_ref, out_ref):
    x = x_ref[0]
    c = c_ref[0]
    n2 = jnp.sum(x * x, axis=1, keepdims=True)
    c2 = jnp.sum(c * c, axis=0, keepdims=True)
    xc = lax.dot_general(x, c, (((1,), (0,)), ((), ())),
                         preferred_element_type=jnp.float32)
    d2 = n2 + c2 - 2.0 * xc
    iota_n = lax.broadcasted_iota(jnp.int32, (N, SBLK), 0)
    imax = jnp.iinfo(jnp.int32).max
    imin = jnp.iinfo(jnp.int32).min
    v = lax.bitcast_convert_type(d2, jnp.int32)

    def pack(vv):
        return ((vv + (N // 2)) & ~(N - 1)) | iota_n

    key = pack(v)
    rows = []
    for r in range(K):
        kmin = jnp.min(key, axis=0, keepdims=True)
        rows.append(kmin & (N - 1))
        key = jnp.where(key == kmin, imax, key)
    out = jnp.concatenate(rows, axis=0)

    for f in range(2):
        winner = key == imax
        tw = jnp.max(jnp.where(winner, v, imin), axis=0, keepdims=True)
        sn = jnp.min(jnp.where(winner, imax, v), axis=0, keepdims=True)
        bad = tw > sn
        iw = jnp.min(jnp.where(winner & (v == tw), iota_n, N), axis=0,
                     keepdims=True)
        inw = jnp.min(jnp.where((~winner) & (v == sn), iota_n, N), axis=0,
                      keepdims=True)
        out = jnp.where(bad & (out == iw), inw, out)
    out_ref[0, 0] = out


def _run_knn(xyz, cxyz):
    ct = jnp.transpose(cxyz, (1, 0, 2))
    out = pl.pallas_call(
        _knn_kernel,
        grid=(B, S // SBLK),
        in_specs=[
            pl.BlockSpec((1, N, 3), lambda b, s: (b, 0, 0)),
            pl.BlockSpec((1, 3, SBLK), lambda b, s: (b, 0, s)),
        ],
        out_specs=pl.BlockSpec((1, 1, K, SBLK), lambda b, s: (b, s, 0, 0)),
        out_shape=jax.ShapeDtypeStruct((B, S // SBLK, K, SBLK), jnp.int32),
    )(xyz, ct)
    return jnp.transpose(out, (0, 1, 3, 2)).reshape(B, S, K)



@functools.lru_cache(maxsize=None)
def _make_sc_gather():
    info = plsc.get_sparse_core_info()
    nc, ns = info.num_cores, info.num_subcores
    nw = nc * ns
    rows_per_w = NROWS // nw
    ch = 512
    nchunk = rows_per_w // ch
    mesh = plsc.VectorSubcoreMesh(core_axis_name="c", subcore_axis_name="s")

    @functools.partial(
        pl.kernel,
        mesh=mesh,
        out_type=jax.ShapeDtypeStruct((NROWS, C_PAD), jnp.float32),
        scratch_types=[
            pltpu.VMEM((ch,), jnp.int32),
            pltpu.VMEM((ch, C_PAD), jnp.float32),
            pltpu.SemaphoreType.DMA,
        ],
    )
    def sc_gather(table_hbm, idx_hbm, out_hbm, idx_v, rows_v, sem):
        wid = lax.axis_index("s") * nc + lax.axis_index("c")
        base = wid * rows_per_w

        def chunk(i, carry):
            off = base + i * ch
            pltpu.sync_copy(idx_hbm.at[pl.ds(off, ch)], idx_v)
            pltpu.async_copy(table_hbm.at[idx_v], rows_v, sem).wait()
            pltpu.sync_copy(rows_v, out_hbm.at[pl.ds(off, ch)])
            return carry

        lax.fori_loop(0, nchunk, chunk, 0)

    return sc_gather


def _sc_gather(table, gidx):
    return _make_sc_gather()(table, gidx)



RT = 2048


def _passA_kernel(g_ref, nx_ref, w_ref, out_ref, st_ref, acc):
    i = pl.program_id(0)

    @pl.when(i == 0)
    def _():
        acc[...] = jnp.zeros_like(acc)

    g = g_ref[...]
    w = w_ref[...]
    y = lax.dot_general(g, w, (((1,), (0,)), ((), ())),
                        preferred_element_type=jnp.float32)
    off = lax.dot_general(nx_ref[...], w[0:3, :], (((1,), (0,)), ((), ())),
                          preferred_element_type=jnp.float32)
    off = jnp.broadcast_to(off[:, None, :], (RT // K, K, 64)).reshape(RT, 64)
    y = y - off
    out_ref[...] = y
    acc[0:1, :] += jnp.sum(y, axis=0, keepdims=True)
    acc[1:2, :] += jnp.sum(y * y, axis=0, keepdims=True)

    @pl.when(i == pl.num_programs(0) - 1)
    def _():
        st_ref[...] = acc[...]


def _passBC_kernel(y_ref, ac_ref, w_ref, out_ref, st_ref, acc):
    i = pl.program_id(0)

    @pl.when(i == 0)
    def _():
        acc[...] = jnp.zeros_like(acc)

    a = ac_ref[0:1, :]
    c = ac_ref[1:2, :]
    z = jnp.maximum(y_ref[...] * a + c, 0.0)
    y2 = lax.dot_general(z, w_ref[...], (((1,), (0,)), ((), ())),
                         preferred_element_type=jnp.float32)
    out_ref[...] = y2
    acc[0:1, :] += jnp.sum(y2, axis=0, keepdims=True)
    acc[1:2, :] += jnp.sum(y2 * y2, axis=0, keepdims=True)

    @pl.when(i == pl.num_programs(0) - 1)
    def _():
        st_ref[...] = acc[...]


def _passC_kernel(y_ref, ac_ref, w_ref, mx_ref, mn_ref, st_ref, acc):
    i = pl.program_id(0)

    @pl.when(i == 0)
    def _():
        acc[...] = jnp.zeros_like(acc)

    a = ac_ref[0:1, :]
    c = ac_ref[1:2, :]
    z = jnp.maximum(y_ref[...] * a + c, 0.0)
    y3 = lax.dot_general(z, w_ref[...], (((1,), (0,)), ((), ())),
                         preferred_element_type=jnp.float32)
    acc[0:1, :] += jnp.sum(y3, axis=0, keepdims=True)
    acc[1:2, :] += jnp.sum(y3 * y3, axis=0, keepdims=True)
    y3r = y3.reshape(RT // K, K, 128)
    mx_ref[...] = jnp.max(y3r, axis=1)
    mn_ref[...] = jnp.min(y3r, axis=1)

    @pl.when(i == pl.num_programs(0) - 1)
    def _():
        st_ref[...] = acc[...]


def _passD2_kernel(mx_ref, mn_ref, ac_ref, out_ref):
    a = ac_ref[0:1, :]
    c = ac_ref[1:2, :]
    hi = jnp.maximum(mx_ref[...] * a + c, 0.0)
    lo = jnp.maximum(mn_ref[...] * a + c, 0.0)
    out_ref[...] = jnp.where(a > 0.0, hi, lo)


def _run_passA(g, nxc, w0t):
    grid = NROWS // RT
    y1, st = pl.pallas_call(
        _passA_kernel,
        grid=(grid,),
        in_specs=[
            pl.BlockSpec((RT, C_PAD), lambda i: (i, 0)),
            pl.BlockSpec((RT // K, 3), lambda i: (i, 0)),
            pl.BlockSpec((C_PAD, 64), lambda i: (0, 0)),
        ],
        out_specs=(
            pl.BlockSpec((RT, 64), lambda i: (i, 0)),
            pl.BlockSpec((8, 64), lambda i: (0, 0)),
        ),
        out_shape=(
            jax.ShapeDtypeStruct((NROWS, 64), jnp.float32),
            jax.ShapeDtypeStruct((8, 64), jnp.float32),
        ),
        scratch_shapes=[pltpu.VMEM((8, 64), jnp.float32)],
    )(g, nxc, w0t)
    return y1, st


def _run_passBC(y, ac, wt, cout):
    grid = NROWS // RT
    cin = y.shape[1]
    y2, st = pl.pallas_call(
        _passBC_kernel,
        grid=(grid,),
        in_specs=[
            pl.BlockSpec((RT, cin), lambda i: (i, 0)),
            pl.BlockSpec((8, cin), lambda i: (0, 0)),
            pl.BlockSpec((cin, cout), lambda i: (0, 0)),
        ],
        out_specs=(
            pl.BlockSpec((RT, cout), lambda i: (i, 0)),
            pl.BlockSpec((8, cout), lambda i: (0, 0)),
        ),
        out_shape=(
            jax.ShapeDtypeStruct((NROWS, cout), jnp.float32),
            jax.ShapeDtypeStruct((8, cout), jnp.float32),
        ),
        scratch_shapes=[pltpu.VMEM((8, cout), jnp.float32)],
    )(y, ac, wt)
    return y2, st


def _run_passC(y, ac, wt):
    grid = NROWS // RT
    cin = y.shape[1]
    mx, mn, st = pl.pallas_call(
        _passC_kernel,
        grid=(grid,),
        in_specs=[
            pl.BlockSpec((RT, cin), lambda i: (i, 0)),
            pl.BlockSpec((8, cin), lambda i: (0, 0)),
            pl.BlockSpec((cin, 128), lambda i: (0, 0)),
        ],
        out_specs=(
            pl.BlockSpec((RT // K, 128), lambda i: (i, 0)),
            pl.BlockSpec((RT // K, 128), lambda i: (i, 0)),
            pl.BlockSpec((8, 128), lambda i: (0, 0)),
        ),
        out_shape=(
            jax.ShapeDtypeStruct((NROWS // K, 128), jnp.float32),
            jax.ShapeDtypeStruct((NROWS // K, 128), jnp.float32),
            jax.ShapeDtypeStruct((8, 128), jnp.float32),
        ),
        scratch_shapes=[pltpu.VMEM((8, 128), jnp.float32)],
    )(y, ac, wt)
    return mx, mn, st


def _run_passD2(mx, mn, ac):
    out = pl.pallas_call(
        _passD2_kernel,
        out_shape=jax.ShapeDtypeStruct((NROWS // K, 128), jnp.float32),
    )(mx, mn, ac)
    return out


def _bn_affine(st, gamma, beta):
    n = jnp.float32(NROWS)
    mean = st[0, :] / n
    var = st[1, :] / n - mean * mean
    a = gamma / jnp.sqrt(var + EPS)
    c = beta - mean * a
    cw = a.shape[0]
    ac = jnp.zeros((8, cw), jnp.float32)
    ac = ac.at[0, :].set(a).at[1, :].set(c)
    return ac



def kernel(xyz, points, W0, b0, gamma0, beta0, W1, b1, gamma1, beta1,
           W2, b2, gamma2, beta2):
    del b0, b1, b2

    cxyz = _run_fps(xyz)
    new_xyz = jnp.transpose(cxyz, (1, 2, 0))

    idx = _run_knn(xyz, cxyz)

    gidx = (idx + (jnp.arange(B, dtype=jnp.int32) * N)[:, None, None])
    gidx = gidx.reshape(NROWS)

    table = jnp.concatenate([xyz, points], axis=-1).reshape(B * N, C_IN)
    table = jnp.pad(table, ((0, 0), (0, C_PAD - C_IN)))

    g = _sc_gather(table, gidx)

    w0t = jnp.pad(W0.T, ((0, C_PAD - C_IN), (0, 0)))
    nxc = new_xyz.reshape(B * S, 3)

    y1, st1 = _run_passA(g, nxc, w0t)
    ac1 = _bn_affine(st1, gamma0, beta0)
    y2, st2 = _run_passBC(y1, ac1, W1.T, 64)
    ac2 = _bn_affine(st2, gamma1, beta1)
    mx, mn, st3 = _run_passC(y2, ac2, W2.T)
    ac3 = _bn_affine(st3, gamma2, beta2)
    out = _run_passD2(mx, mn, ac3)

    new_points = out.reshape(B, S, 128)
    return new_xyz, new_points

# --- scband reference (transcript-rebuilt; emitter-appended) ---
"""Pipeline reference for scband-point-net-set-abstraction-42597485641816 (READ-ONLY COPY).

The authoritative reference and input builder live on the scoring server;
editing this copy changes nothing except your own understanding.
"""

import jax, jax.numpy as jnp
import numpy as np

NPOINT = 1024
NSAMPLE = 32
EPS = 1e-5
CHANS = [67, 64, 64, 128]


def _fps(xyz, npoint):
    N = xyz.shape[1]

    def single(x):
        def body(i, carry):
            idxs, dists, last = carry
            d = jnp.sum((x - x[last]) ** 2, axis=-1)
            dists = jnp.minimum(dists, d)
            nxt = jnp.argmax(dists).astype(jnp.int32)
            idxs = idxs.at[i].set(nxt)
            return (idxs, dists, nxt)

        idxs0 = jnp.zeros((npoint,), dtype=jnp.int32)
        dists0 = jnp.full((N,), 1e10, dtype=jnp.float32)
        idxs, _, _ = jax.lax.fori_loop(1, npoint, body, (idxs0, dists0, jnp.int32(0)))
        return idxs

    return jax.vmap(single)(xyz)


def _index_points(p, idx):
    # p: [B, N, C], idx: [B, ...] -> [B, ..., C]
    return jax.vmap(lambda pp, ii: pp[ii])(p, idx)


def _forward(xyz, points, params):
    # FPS sample centroids (indices are non-differentiable constants)
    fidx = _fps(jax.lax.stop_gradient(xyz), NPOINT)  # [B, S]
    new_xyz = _index_points(xyz, fidx)  # [B, S, 3]
    # knn: squared distances [B, S, N]
    d2 = (jnp.sum(new_xyz ** 2, axis=-1)[:, :, None]
          + jnp.sum(xyz ** 2, axis=-1)[:, None, :]
          - 2.0 * jnp.einsum('bsc,bnc->bsn', new_xyz, xyz))
    _, idx = jax.lax.top_k(-d2, NSAMPLE)  # [B, S, K]
    idx = jax.lax.stop_gradient(idx)
    grouped_xyz = _index_points(xyz, idx) - new_xyz[:, :, None, :]  # [B, S, K, 3]
    grouped_feat = _index_points(points, idx)  # [B, S, K, C]
    grouped = jnp.concatenate([grouped_xyz, grouped_feat], axis=-1)  # [B, S, K, 3+C]
    x = jnp.transpose(grouped, (0, 3, 2, 1))  # [B, C_in, K, S]
    for (W, b, g, be) in params:
        x = jnp.einsum('oc,bcks->boks', W, x) + b[None, :, None, None]
        mean = jnp.mean(x, axis=(0, 2, 3), keepdims=True)
        var = jnp.var(x, axis=(0, 2, 3), keepdims=True)
        x = (x - mean) / jnp.sqrt(var + EPS)
        x = x * g[None, :, None, None] + be[None, :, None, None]
        x = jax.nn.relu(x)
    new_points = jnp.max(x, axis=2)  # [B, C_out, S]
    new_points = jnp.transpose(new_points, (0, 2, 1))  # [B, S, C_out]
    return new_xyz, new_points


def setup_inputs(seed: int = 0) -> dict:
    key = jax.random.key(seed)
    ks = jax.random.split(key, 8)
    xyz = jax.random.uniform(ks[0], (8, 4096, 3), dtype=jnp.float32)
    points = jax.random.normal(ks[1], (8, 4096, 64), dtype=jnp.float32)
    inp = {"xyz": xyz, "points": points}
    for i in range(3):
        inp[f"W{i}"] = jax.random.normal(ks[2 + i], (CHANS[i + 1], CHANS[i]), dtype=jnp.float32) * 0.05
        inp[f"b{i}"] = jnp.zeros((CHANS[i + 1],), dtype=jnp.float32)
        inp[f"gamma{i}"] = jnp.ones((CHANS[i + 1],), dtype=jnp.float32)
        inp[f"beta{i}"] = jnp.zeros((CHANS[i + 1],), dtype=jnp.float32)
    return inp


def reference(xyz, points, W0, b0, gamma0, beta0, W1, b1, gamma1, beta1, W2, b2, gamma2, beta2):
    params = [(W0, b0, gamma0, beta0), (W1, b1, gamma1, beta1), (W2, b2, gamma2, beta2)]
    return _forward(xyz, points, params)

if __name__ == "__main__":
    import jax
    _d = setup_inputs()
    print(jax.jit(kernel)(*tuple(_d.values())))

</pallas_src>

<mosaic_0001>
#map = affine_map<(d0, d1) -> (0, 0)>
#map1 = affine_map<(d0, d1) -> (0)>
module attributes {stable_mosaic.version = 14 : i64} {
  func.func @sc_gather(%arg0: i32, %arg1: i32, %arg2: memref<32768x128xf32, #tpu.memory_space<hbm>>, %arg3: memref<262144xi32, #tpu.memory_space<hbm>>, %arg4: memref<262144x128xf32, #tpu.memory_space<hbm>>, %arg5: memref<512xi32, #tpu.memory_space<vmem>>, %arg6: memref<512x128xf32, #tpu.memory_space<vmem>>, %arg7: memref<!tpu.dma_semaphore, #tpu.memory_space<semaphore_mem>>) attributes {dimension_semantics = [#tpu.dimension_semantics<core_parallel>, #tpu.dimension_semantics<subcore_parallel>], iteration_bounds = array<i64: 2, 16>, scalar_prefetch = 0 : i64, scratch_operands = 3 : i64, tpu.core_type = #tpu.core_type<sc_vector_subcore>, window_params = [{transform_indices = #map}, {transform_indices = #map1}, {transform_indices = #map}]} {
    %mul3A = arith.constant 2 : i32
    %mul3A_0 = arith.muli %arg1, %mul3A : i32
    %add3A = arith.addi %mul3A_0, %arg0 : i32
    %mul3A_1 = arith.constant 8192 : i32
    %mul3A_2 = arith.muli %add3A, %mul3A_1 : i32
    %scan3A = arith.constant 0 : i32
    %scan3A_3 = arith.constant 0 : i32
    %scan3A_4 = arith.constant 16 : i32
    %scan3A_5 = arith.addi %scan3A_3, %scan3A_4 : i32
    %scan3A_6 = arith.constant 1 : i32
    scf.for %scan3A_8 = %scan3A_3 to %scan3A_5 step %scan3A_6  : i32 {
      %mul3A_9 = arith.constant 512 : i32
      %mul3A_10 = arith.muli %scan3A_8, %mul3A_9 : i32
      %add3A_11 = arith.addi %mul3A_2, %mul3A_10 : i32
      "tpu.region"() ({
        %run_scoped3A = tpu.sem_alloc : memref<!tpu.dma_semaphore, #tpu.memory_space<semaphore_mem>>
        %dma_start3A_16 = tpu.memref_slice %arg3[%add3A_11] : memref<262144xi32, #tpu.memory_space<hbm>> -> memref<512xi32, #tpu.memory_space<hbm>>
        %dma_start3A_17 = tpu.memref_slice %arg3[%add3A_11] : memref<262144xi32, #tpu.memory_space<hbm>> -> memref<512xi32, #tpu.memory_space<hbm>>
        tpu.enqueue_dma source(%dma_start3A_17 : memref<512xi32, #tpu.memory_space<hbm>>) target(%arg5 : memref<512xi32, #tpu.memory_space<vmem>>) target_semaphore(%run_scoped3A : memref<!tpu.dma_semaphore, #tpu.memory_space<semaphore_mem>>)
        %dma_wait3A_18 = tpu.memref_slice %arg3[%add3A_11] : memref<262144xi32, #tpu.memory_space<hbm>> -> memref<512xi32, #tpu.memory_space<hbm>>
        %dma_wait3A_19 = tpu.memref_slice %arg3[%add3A_11] : memref<262144xi32, #tpu.memory_space<hbm>> -> memref<512xi32, #tpu.memory_space<hbm>>
        tpu.wait_dma2 semaphore(%run_scoped3A : memref<!tpu.dma_semaphore, #tpu.memory_space<semaphore_mem>>) src(%dma_wait3A_19 : memref<512xi32, #tpu.memory_space<hbm>>) dst(%arg5 : memref<512xi32, #tpu.memory_space<vmem>>)
        tpu.yield
      }) : () -> ()
      %dma_start3A = arith.constant 0 : i32
      %dma_start3A_12 = arith.constant 0 : i32
      %dma_start3A_13 = tpu.memref_slice %arg2[%dma_start3A, %dma_start3A_12] : memref<32768x128xf32, #tpu.memory_space<hbm>> -> memref<32768x128xf32, #tpu.memory_space<hbm>>
      tpu.enqueue_indirect_dma source(%dma_start3A_13 : memref<32768x128xf32, #tpu.memory_space<hbm>>) target(%arg6 : memref<512x128xf32, #tpu.memory_space<vmem>>) offsets(%arg5 : memref<512xi32, #tpu.memory_space<vmem>>) semaphore(%arg7 : memref<!tpu.dma_semaphore, #tpu.memory_space<semaphore_mem>>)
      %dma_wait3A = arith.constant 0 : i32
      %dma_wait3A_14 = arith.constant 0 : i32
      %dma_wait3A_15 = tpu.memref_slice %arg2[%dma_wait3A, %dma_wait3A_14] : memref<32768x128xf32, #tpu.memory_space<hbm>> -> memref<32768x128xf32, #tpu.memory_space<hbm>>
      tpu.wait_indirect_dma semaphore(%arg7 : memref<!tpu.dma_semaphore, #tpu.memory_space<semaphore_mem>>) src(%dma_wait3A_15 : memref<32768x128xf32, #tpu.memory_space<hbm>>) dst(%arg6 : memref<512x128xf32, #tpu.memory_space<vmem>>)
      "tpu.region"() ({
        %run_scoped3A = tpu.sem_alloc : memref<!tpu.dma_semaphore, #tpu.memory_space<semaphore_mem>>
        %dma_start3A_16 = arith.constant 0 : i32
        %dma_start3A_17 = tpu.memref_slice %arg4[%add3A_11, %dma_start3A_16] : memref<262144x128xf32, #tpu.memory_space<hbm>> -> memref<512x128xf32, #tpu.memory_space<hbm>>
        %dma_start3A_18 = arith.constant 0 : i32
        %dma_start3A_19 = tpu.memref_slice %arg4[%add3A_11, %dma_start3A_18] : memref<262144x128xf32, #tpu.memory_space<hbm>> -> memref<512x128xf32, #tpu.memory_space<hbm>>
        tpu.enqueue_dma source(%arg6 : memref<512x128xf32, #tpu.memory_space<vmem>>) target(%dma_start3A_19 : memref<512x128xf32, #tpu.memory_space<hbm>>) target_semaphore(%run_scoped3A : memref<!tpu.dma_semaphore, #tpu.memory_space<semaphore_mem>>)
        %dma_wait3A_20 = arith.constant 0 : i32
        %dma_wait3A_21 = tpu.memref_slice %arg4[%add3A_11, %dma_wait3A_20] : memref<262144x128xf32, #tpu.memory_space<hbm>> -> memref<512x128xf32, #tpu.memory_space<hbm>>
        %dma_wait3A_22 = arith.constant 0 : i32
        %dma_wait3A_23 = tpu.memref_slice %arg4[%add3A_11, %dma_wait3A_22] : memref<262144x128xf32, #tpu.memory_space<hbm>> -> memref<512x128xf32, #tpu.memory_space<hbm>>
        tpu.wait_dma2 semaphore(%run_scoped3A : memref<!tpu.dma_semaphore, #tpu.memory_space<semaphore_mem>>) src(%arg6 : memref<512x128xf32, #tpu.memory_space<vmem>>) dst(%dma_wait3A_23 : memref<512x128xf32, #tpu.memory_space<hbm>>)
        tpu.yield
      }) : () -> ()
    }
    %scan3A_7 = arith.constant 16 : i32
    return
  }
}

module attributes {stable_mosaic.version = 14 : i64} {
  func.func @_fps_kernel(%arg0: memref<3x8x4096xf32, #tpu.memory_space<vmem>>, %arg1: memref<3x8x1024xf32, #tpu.memory_space<vmem>>) attributes {dimension_semantics = [], scalar_prefetch = 0 : i64, scratch_operands = 0 : i64, tpu.core_type = #tpu.core_type<tc>} {
    %get3A = arith.constant 0 : index
    %get3A_0 = arith.constant 0 : index
    %get3A_1 = arith.constant 0 : index
    %get3A_2 = vector.load %arg0[%get3A, %get3A_0, %get3A_1] : memref<3x8x4096xf32, #tpu.memory_space<vmem>>, vector<1x8x4096xf32>
    %get3A_3 = vector.shape_cast %get3A_2 : vector<1x8x4096xf32> to vector<8x4096xf32>
    %get3A_4 = arith.constant 1 : index
    %get3A_5 = arith.constant 0 : index
    %get3A_6 = arith.constant 0 : index
    %get3A_7 = vector.load %arg0[%get3A_4, %get3A_5, %get3A_6] : memref<3x8x4096xf32, #tpu.memory_space<vmem>>, vector<1x8x4096xf32>
    %get3A_8 = vector.shape_cast %get3A_7 : vector<1x8x4096xf32> to vector<8x4096xf32>
    %get3A_9 = arith.constant 2 : index
    %get3A_10 = arith.constant 0 : index
    %get3A_11 = arith.constant 0 : index
    %get3A_12 = vector.load %arg0[%get3A_9, %get3A_10, %get3A_11] : memref<3x8x4096xf32, #tpu.memory_space<vmem>>, vector<1x8x4096xf32>
    %get3A_13 = vector.shape_cast %get3A_12 : vector<1x8x4096xf32> to vector<8x4096xf32>
    %iota3A = tpu.iota {dimensions = array<i32: 1>} : vector<8x4096xi32>
    %iota3A_14 = tpu.iota {dimensions = array<i32: 1>} : vector<8x1024xi32>
    %slice3A = vector.extract_strided_slice %get3A_3 {offsets = [0, 0], sizes = [8, 1], strides = [1, 1]} : vector<8x4096xf32> to vector<8x1xf32>
    %slice3A_15 = vector.extract_strided_slice %get3A_8 {offsets = [0, 0], sizes = [8, 1], strides = [1, 1]} : vector<8x4096xf32> to vector<8x1xf32>
    %slice3A_16 = vector.extract_strided_slice %get3A_13 {offsets = [0, 0], sizes = [8, 1], strides = [1, 1]} : vector<8x4096xf32> to vector<8x1xf32>
    %broadcast_in_dim3A = arith.constant 1.000000e+10 : f32
    %broadcast_in_dim3A_17 = vector.broadcast %broadcast_in_dim3A : f32 to vector<8x4096xf32>
    %eq3A = arith.constant 0 : i32
    %eq3A_18 = vector.broadcast %eq3A : i32 to vector<8x1024xi32>
    %eq3A_19 = arith.cmpi eq, %iota3A_14, %eq3A_18 : vector<8x1024xi32>
    %jit3A = arith.constant 0.000000e+00 : f32
    %broadcast_in_dim3A_20 = vector.shape_cast %slice3A : vector<8x1xf32> to vector<8x1xf32>
    %broadcast_in_dim3A_21 = vector.broadcast %broadcast_in_dim3A_20 : vector<8x1xf32> to vector<8x1024xf32>
    %broadcast_in_dim3A_22 = vector.broadcast %jit3A : f32 to vector<8x1024xf32>
    %select_n3A = arith.select %eq3A_19, %broadcast_in_dim3A_21, %broadcast_in_dim3A_22 : vector<8x1024xi1>, vector<8x1024xf32>
    %jit3A_23 = arith.constant 0.000000e+00 : f32
    %broadcast_in_dim3A_24 = vector.shape_cast %slice3A_15 : vector<8x1xf32> to vector<8x1xf32>
    %broadcast_in_dim3A_25 = vector.broadcast %broadcast_in_dim3A_24 : vector<8x1xf32> to vector<8x1024xf32>
    %broadcast_in_dim3A_26 = vector.broadcast %jit3A_23 : f32 to vector<8x1024xf32>
    %select_n3A_27 = arith.select %eq3A_19, %broadcast_in_dim3A_25, %broadcast_in_dim3A_26 : vector<8x1024xi1>, vector<8x1024xf32>
    %jit3A_28 = arith.constant 0.000000e+00 : f32
    %broadcast_in_dim3A_29 = vector.shape_cast %slice3A_16 : vector<8x1xf32> to vector<8x1xf32>
    %broadcast_in_dim3A_30 = vector.broadcast %broadcast_in_dim3A_29 : vector<8x1xf32> to vector<8x1024xf32>
    %broadcast_in_dim3A_31 = vector.broadcast %jit3A_28 : f32 to vector<8x1024xf32>
    %select_n3A_32 = arith.select %eq3A_19, %broadcast_in_dim3A_30, %broadcast_in_dim3A_31 : vector<8x1024xi1>, vector<8x1024xf32>
    %scan3A = arith.constant 1 : i32
    %scan3A_33 = arith.constant 1023 : i32
    %scan3A_34 = arith.addi %scan3A, %scan3A_33 : i32
    %scan3A_35 = arith.constant 1 : i32
    %scan3A_36:7 = scf.for %scan3A_55 = %scan3A to %scan3A_34 step %scan3A_35 iter_args(%scan3A_56 = %broadcast_in_dim3A_17, %scan3A_57 = %select_n3A, %scan3A_58 = %select_n3A_27, %scan3A_59 = %select_n3A_32, %scan3A_60 = %slice3A, %scan3A_61 = %slice3A_15, %scan3A_62 = %slice3A_16) -> (vector<8x4096xf32>, vector<8x1024xf32>, vector<8x1024xf32>, vector<8x1024xf32>, vector<8x1xf32>, vector<8x1xf32>, vector<8x1xf32>)  : i32 {
      %sub3A = vector.broadcast %scan3A_60 : vector<8x1xf32> to vector<8x4096xf32>
      %sub3A_63 = arith.subf %get3A_3, %sub3A : vector<8x4096xf32>
      %integer_pow3A = arith.mulf %sub3A_63, %sub3A_63 : vector<8x4096xf32>
      %sub3A_64 = vector.broadcast %scan3A_62 : vector<8x1xf32> to vector<8x4096xf32>
      %sub3A_65 = arith.subf %get3A_13, %sub3A_64 : vector<8x4096xf32>
      %integer_pow3A_66 = arith.mulf %sub3A_65, %sub3A_65 : vector<8x4096xf32>
      %add3A = arith.addf %integer_pow3A, %integer_pow3A_66 : vector<8x4096xf32>
      %sub3A_67 = vector.broadcast %scan3A_61 : vector<8x1xf32> to vector<8x4096xf32>
      %sub3A_68 = arith.subf %get3A_8, %sub3A_67 : vector<8x4096xf32>
      %integer_pow3A_69 = arith.mulf %sub3A_68, %sub3A_68 : vector<8x4096xf32>
      %add3A_70 = arith.addf %add3A, %integer_pow3A_69 : vector<8x4096xf32>
      %min3A = arith.minimumf %scan3A_56, %add3A_70 : vector<8x4096xf32>
      %reduce_max3A = arith.constant dense<0xFF800000> : vector<8xf32>
      %reduce_max3A_71 = vector.multi_reduction <maximumf>, %min3A, %reduce_max3A [1] : vector<8x4096xf32> to vector<8xf32>
      %broadcast_in_dim3A_72 = vector.shape_cast %reduce_max3A_71 : vector<8xf32> to vector<8x1xf32>
      %eq3A_73 = vector.broadcast %broadcast_in_dim3A_72 : vector<8x1xf32> to vector<8x4096xf32>
      %eq3A_74 = arith.cmpf oeq, %min3A, %eq3A_73 : vector<8x4096xf32>
      %jit3A_75 = arith.constant 4096 : i32
      %broadcast_in_dim3A_76 = vector.broadcast %jit3A_75 : i32 to vector<8x4096xi32>
      %select_n3A_77 = arith.select %eq3A_74, %iota3A, %broadcast_in_dim3A_76 : vector<8x4096xi1>, vector<8x4096xi32>
      %reduce_min3A = arith.constant dense<2147483647> : vector<8xi32>
      %reduce_min3A_78 = vector.multi_reduction <minsi>, %select_n3A_77, %reduce_min3A [1] : vector<8x4096xi32> to vector<8xi32>
      %broadcast_in_dim3A_79 = vector.shape_cast %reduce_min3A_78 : vector<8xi32> to vector<8x1xi32>
      %eq3A_80 = vector.broadcast %broadcast_in_dim3A_79 : vector<8x1xi32> to vector<8x4096xi32>
      %eq3A_81 = arith.cmpi eq, %iota3A, %eq3A_80 : vector<8x4096xi32>
      %jit3A_82 = arith.constant 0.000000e+00 : f32
      %broadcast_in_dim3A_83 = vector.broadcast %jit3A_82 : f32 to vector<8x4096xf32>
      %select_n3A_84 = arith.select %eq3A_81, %get3A_3, %broadcast_in_dim3A_83 : vector<8x4096xi1>, vector<8x4096xf32>
      %reduce_sum3A = arith.constant dense<0.000000e+00> : vector<8xf32>
      %reduce_sum3A_85 = vector.multi_reduction <add>, %select_n3A_84, %reduce_sum3A [1] : vector<8x4096xf32> to vector<8xf32>
      %broadcast_in_dim3A_86 = vector.shape_cast %reduce_sum3A_85 : vector<8xf32> to vector<8x1xf32>
      %jit3A_87 = arith.constant 0.000000e+00 : f32
      %broadcast_in_dim3A_88 = vector.broadcast %jit3A_87 : f32 to vector<8x4096xf32>
      %select_n3A_89 = arith.select %eq3A_81, %get3A_8, %broadcast_in_dim3A_88 : vector<8x4096xi1>, vector<8x4096xf32>
      %reduce_sum3A_90 = arith.constant dense<0.000000e+00> : vector<8xf32>
      %reduce_sum3A_91 = vector.multi_reduction <add>, %select_n3A_89, %reduce_sum3A_90 [1] : vector<8x4096xf32> to vector<8xf32>
      %broadcast_in_dim3A_92 = vector.shape_cast %reduce_sum3A_91 : vector<8xf32> to vector<8x1xf32>
      %jit3A_93 = arith.constant 0.000000e+00 : f32
      %broadcast_in_dim3A_94 = vector.broadcast %jit3A_93 : f32 to vector<8x4096xf32>
      %select_n3A_95 = arith.select %eq3A_81, %get3A_13, %broadcast_in_dim3A_94 : vector<8x4096xi1>, vector<8x4096xf32>
      %reduce_sum3A_96 = arith.constant dense<0.000000e+00> : vector<8xf32>
      %reduce_sum3A_97 = vector.multi_reduction <add>, %select_n3A_95, %reduce_sum3A_96 [1] : vector<8x4096xf32> to vector<8xf32>
      %broadcast_in_dim3A_98 = vector.shape_cast %reduce_sum3A_97 : vector<8xf32> to vector<8x1xf32>
      %eq3A_99 = vector.broadcast %scan3A_55 : i32 to vector<8x1024xi32>
      %eq3A_100 = arith.cmpi eq, %iota3A_14, %eq3A_99 : vector<8x1024xi32>
      %broadcast_in_dim3A_101 = vector.shape_cast %broadcast_in_dim3A_86 : vector<8x1xf32> to vector<8x1xf32>
      %broadcast_in_dim3A_102 = vector.broadcast %broadcast_in_dim3A_101 : vector<8x1xf32> to vector<8x1024xf32>
      %select_n3A_103 = arith.select %eq3A_100, %broadcast_in_dim3A_102, %scan3A_57 : vector<8x1024xi1>, vector<8x1024xf32>
      %broadcast_in_dim3A_104 = vector.shape_cast %broadcast_in_dim3A_92 : vector<8x1xf32> to vector<8x1xf32>
      %broadcast_in_dim3A_105 = vector.broadcast %broadcast_in_dim3A_104 : vector<8x1xf32> to vector<8x1024xf32>
      %select_n3A_106 = arith.select %eq3A_100, %broadcast_in_dim3A_105, %scan3A_58 : vector<8x1024xi1>, vector<8x1024xf32>
      %broadcast_in_dim3A_107 = vector.shape_cast %broadcast_in_dim3A_98 : vector<8x1xf32> to vector<8x1xf32>
      %broadcast_in_dim3A_108 = vector.broadcast %broadcast_in_dim3A_107 : vector<8x1xf32> to vector<8x1024xf32>
      %select_n3A_109 = arith.select %eq3A_100, %broadcast_in_dim3A_108, %scan3A_59 : vector<8x1024xi1>, vector<8x1024xf32>
      scf.yield %min3A, %select_n3A_103, %select_n3A_106, %select_n3A_109, %broadcast_in_dim3A_86, %broadcast_in_dim3A_92, %broadcast_in_dim3A_98 : vector<8x4096xf32>, vector<8x1024xf32>, vector<8x1024xf32>, vector<8x1024xf32>, vector<8x1xf32>, vector<8x1xf32>, vector<8x1xf32>
    }
    %scan3A_37 = arith.constant 1023 : i32
    %swap3A = arith.constant 0 : index
    %swap3A_38 = arith.constant 0 : index
    %swap3A_39 = arith.constant 0 : index
    %swap3A_40 = vector.load %arg1[%swap3A, %swap3A_38, %swap3A_39] : memref<3x8x1024xf32, #tpu.memory_space<vmem>>, vector<1x8x1024xf32>
    %swap3A_41 = vector.shape_cast %swap3A_40 : vector<1x8x1024xf32> to vector<8x1024xf32>
    %swap3A_42 = vector.shape_cast %scan3A_36#1 : vector<8x1024xf32> to vector<1x8x1024xf32>
    tpu.vector_store %arg1[%swap3A, %swap3A_38, %swap3A_39], %swap3A_42 {strides = array<i32>} : memref<3x8x1024xf32, #tpu.memory_space<vmem>>, vector<1x8x1024xf32>,
    %swap3A_43 = arith.constant 1 : index
    %swap3A_44 = arith.constant 0 : index
    %swap3A_45 = arith.constant 0 : index
    %swap3A_46 = vector.load %arg1[%swap3A_43, %swap3A_44, %swap3A_45] : memref<3x8x1024xf32, #tpu.memory_space<vmem>>, vector<1x8x1024xf32>
    %swap3A_47 = vector.shape_cast %swap3A_46 : vector<1x8x1024xf32> to vector<8x1024xf32>
    %swap3A_48 = vector.shape_cast %scan3A_36#2 : vector<8x1024xf32> to vector<1x8x1024xf32>
    tpu.vector_store %arg1[%swap3A_43, %swap3A_44, %swap3A_45], %swap3A_48 {strides = array<i32>} : memref<3x8x1024xf32, #tpu.memory_space<vmem>>, vector<1x8x1024xf32>,
    %swap3A_49 = arith.constant 2 : index
    %swap3A_50 = arith.constant 0 : index
    %swap3A_51 = arith.constant 0 : index
    %swap3A_52 = vector.load %arg1[%swap3A_49, %swap3A_50, %swap3A_51] : memref<3x8x1024xf32, #tpu.memory_space<vmem>>, vector<1x8x1024xf32>
    %swap3A_53 = vector.shape_cast %swap3A_52 : vector<1x8x1024xf32> to vector<8x1024xf32>
    %swap3A_54 = vector.shape_cast %scan3A_36#3 : vector<8x1024xf32> to vector<1x8x1024xf32>
    tpu.vector_store %arg1[%swap3A_49, %swap3A_50, %swap3A_51], %swap3A_54 {strides = array<i32>} : memref<3x8x1024xf32, #tpu.memory_space<vmem>>, vector<1x8x1024xf32>,
    return
  }
}

module attributes {stable_mosaic.version = 14 : i64} {
  func.func @_knn_kernel(%arg0: i32, %arg1: i32, %arg2: memref<1x4096x3xf32, #tpu.memory_space<vmem>>, %arg3: memref<1x3x128xf32, #tpu.memory_space<vmem>>, %arg4: memref<1x1x32x128xi32, #tpu.memory_space<vmem>>) attributes {dimension_semantics = [#tpu.dimension_semantics<arbitrary>, #tpu.dimension_semantics<arbitrary>], iteration_bounds = array<i64: 8, 8>, scalar_prefetch = 0 : i64, scratch_operands = 0 : i64, tpu.core_type = #tpu.core_type<tc>, window_params = [{transform_indices = @transform_0, window_bounds = array<i64: 1, 4096, 3>}, {transform_indices = @transform_1, window_bounds = array<i64: 1, 3, 128>}, {transform_indices = @transform_2, window_bounds = array<i64: 1, 1, 32, 128>}]} {
    %get3A = arith.constant 0 : index
    %get3A_0 = arith.constant 0 : index
    %get3A_1 = arith.constant 0 : index
    %get3A_2 = vector.load %arg2[%get3A, %get3A_0, %get3A_1] : memref<1x4096x3xf32, #tpu.memory_space<vmem>>, vector<1x4096x3xf32>
    %get3A_3 = vector.shape_cast %get3A_2 : vector<1x4096x3xf32> to vector<4096x3xf32>
    %get3A_4 = arith.constant 0 : index
    %get3A_5 = arith.constant 0 : index
    %get3A_6 = arith.constant 0 : index
    %get3A_7 = vector.load %arg3[%get3A_4, %get3A_5, %get3A_6] : memref<1x3x128xf32, #tpu.memory_space<vmem>>, vector<1x3x128xf32>
    %get3A_8 = vector.shape_cast %get3A_7 : vector<1x3x128xf32> to vector<3x128xf32>
    %mul3A = arith.mulf %get3A_3, %get3A_3 : vector<4096x3xf32>
    %reduce_sum3A = arith.constant dense<0.000000e+00> : vector<4096xf32>
    %reduce_sum3A_9 = vector.multi_reduction <add>, %mul3A, %reduce_sum3A [1] : vector<4096x3xf32> to vector<4096xf32>
    %broadcast_in_dim3A = vector.shape_cast %reduce_sum3A_9 : vector<4096xf32> to vector<4096x1xf32>
    %mul3A_10 = arith.mulf %get3A_8, %get3A_8 : vector<3x128xf32>
    %reduce_sum3A_11 = arith.constant dense<0.000000e+00> : vector<128xf32>
    %reduce_sum3A_12 = vector.multi_reduction <add>, %mul3A_10, %reduce_sum3A_11 [0] : vector<3x128xf32> to vector<128xf32>
    %broadcast_in_dim3A_13 = vector.shape_cast %reduce_sum3A_12 : vector<128xf32> to vector<1x128xf32>
    %dot_general3A = arith.constant dense<0.000000e+00> : vector<4096x128xf32>
    %dot_general3A_14 = tpu.matmul %get3A_3, %get3A_8, %dot_general3A {dimension_numbers = #tpu.dot_dimension_numbers<[1], [0], [0], [1], [0, 0, 1, 1], [], []>, transpose_lhs_hint = false} : vector<4096x3xf32>, vector<3x128xf32>, vector<4096x128xf32> -> vector<4096x128xf32>
    %add3A = vector.broadcast %broadcast_in_dim3A : vector<4096x1xf32> to vector<4096x128xf32>
    %add3A_15 = vector.broadcast %broadcast_in_dim3A_13 : vector<1x128xf32> to vector<4096x128xf32>
    %add3A_16 = arith.addf %add3A, %add3A_15 : vector<4096x128xf32>
    %mul3A_17 = arith.constant 2.000000e+00 : f32
    %mul3A_18 = vector.broadcast %mul3A_17 : f32 to vector<4096x128xf32>
    %mul3A_19 = arith.mulf %mul3A_18, %dot_general3A_14 : vector<4096x128xf32>
    %sub3A = arith.subf %add3A_16, %mul3A_19 : vector<4096x128xf32>
    %iota3A = tpu.iota {dimensions = array<i32: 0>} : vector<4096x128xi32>
    %bitcast_convert_type3A = tpu.bitcast %sub3A : vector<4096x128xf32> -> vector<4096x128xi32>
    %add3A_20 = arith.constant 2048 : i32
    %add3A_21 = vector.broadcast %add3A_20 : i32 to vector<4096x128xi32>
    %add3A_22 = arith.addi %bitcast_convert_type3A, %add3A_21 : vector<4096x128xi32>
    %and3A = arith.constant -4096 : i32
    %and3A_23 = vector.broadcast %and3A : i32 to vector<4096x128xi32>
    %and3A_24 = arith.andi %add3A_22, %and3A_23 : vector<4096x128xi32>
    %or3A = arith.ori %and3A_24, %iota3A : vector<4096x128xi32>
    %reduce_min3A = arith.constant dense<2147483647> : vector<128xi32>
    %reduce_min3A_25 = vector.multi_reduction <minsi>, %or3A, %reduce_min3A [0] : vector<4096x128xi32> to vector<128xi32>
    %broadcast_in_dim3A_26 = vector.shape_cast %reduce_min3A_25 : vector<128xi32> to vector<1x128xi32>
    %and3A_27 = arith.constant 4095 : i32
    %and3A_28 = vector.broadcast %and3A_27 : i32 to vector<1x128xi32>
    %and3A_29 = arith.andi %broadcast_in_dim3A_26, %and3A_28 : vector<1x128xi32>
    %eq3A = vector.broadcast %broadcast_in_dim3A_26 : vector<1x128xi32> to vector<4096x128xi32>
    %eq3A_30 = arith.cmpi eq, %or3A, %eq3A : vector<4096x128xi32>
    %jit3A = arith.constant 2147483647 : i32
    %broadcast_in_dim3A_31 = vector.broadcast %jit3A : i32 to vector<4096x128xi32>
    %select_n3A = arith.select %eq3A_30, %broadcast_in_dim3A_31, %or3A : vector<4096x128xi1>, vector<4096x128xi32>
    %reduce_min3A_32 = arith.constant dense<2147483647> : vector<128xi32>
    %reduce_min3A_33 = vector.multi_reduction <minsi>, %select_n3A, %reduce_min3A_32 [0] : vector<4096x128xi32> to vector<128xi32>
    %broadcast_in_dim3A_34 = vector.shape_cast %reduce_min3A_33 : vector<128xi32> to vector<1x128xi32>
    %and3A_35 = arith.constant 4095 : i32
    %and3A_36 = vector.broadcast %and3A_35 : i32 to vector<1x128xi32>
    %and3A_37 = arith.andi %broadcast_in_dim3A_34, %and3A_36 : vector<1x128xi32>
    %eq3A_38 = vector.broadcast %broadcast_in_dim3A_34 : vector<1x128xi32> to vector<4096x128xi32>
    %eq3A_39 = arith.cmpi eq, %select_n3A, %eq3A_38 : vector<4096x128xi32>
    %jit3A_40 = arith.constant 2147483647 : i32
    %broadcast_in_dim3A_41 = vector.broadcast %jit3A_40 : i32 to vector<4096x128xi32>
    %select_n3A_42 = arith.select %eq3A_39, %broadcast_in_dim3A_41, %select_n3A : vector<4096x128xi1>, vector<4096x128xi32>
    %reduce_min3A_43 = arith.constant dense<2147483647> : vector<128xi32>
    %reduce_min3A_44 = vector.multi_reduction <minsi>, %select_n3A_42, %reduce_min3A_43 [0] : vector<4096x128xi32> to vector<128xi32>
    %broadcast_in_dim3A_45 = vector.shape_cast %reduce_min3A_44 : vector<128xi32> to vector<1x128xi32>
    %and3A_46 = arith.constant 4095 : i32
    %and3A_47 = vector.broadcast %and3A_46 : i32 to vector<1x128xi32>
    %and3A_48 = arith.andi %broadcast_in_dim3A_45, %and3A_47 : vector<1x128xi32>
    %eq3A_49 = vector.broadcast %broadcast_in_dim3A_45 : vector<1x128xi32> to vector<4096x128xi32>
    %eq3A_50 = arith.cmpi eq, %select_n3A_42, %eq3A_49 : vector<4096x128xi32>
    %jit3A_51 = arith.constant 2147483647 : i32
    %broadcast_in_dim3A_52 = vector.broadcast %jit3A_51 : i32 to vector<4096x128xi32>
    %select_n3A_53 = arith.select %eq3A_50, %broadcast_in_dim3A_52, %select_n3A_42 : vector<4096x128xi1>, vector<4096x128xi32>
    %reduce_min3A_54 = arith.constant dense<2147483647> : vector<128xi32>
    %reduce_min3A_55 = vector.multi_reduction <minsi>, %select_n3A_53, %reduce_min3A_54 [0] : vector<4096x128xi32> to vector<128xi32>
    %broadcast_in_dim3A_56 = vector.shape_cast %reduce_min3A_55 : vector<128xi32> to vector<1x128xi32>
    %and3A_57 = arith.constant 4095 : i32
    %and3A_58 = vector.broadcast %and3A_57 : i32 to vector<1x128xi32>
    %and3A_59 = arith.andi %broadcast_in_dim3A_56, %and3A_58 : vector<1x128xi32>
    %eq3A_60 = vector.broadcast %broadcast_in_dim3A_56 : vector<1x128xi32> to vector<4096x128xi32>
    %eq3A_61 = arith.cmpi eq, %select_n3A_53, %eq3A_60 : vector<4096x128xi32>
    %jit3A_62 = arith.constant 2147483647 : i32
    %broadcast_in_dim3A_63 = vector.broadcast %jit3A_62 : i32 to vector<4096x128xi32>
    %select_n3A_64 = arith.select %eq3A_61, %broadcast_in_dim3A_63, %select_n3A_53 : vector<4096x128xi1>, vector<4096x128xi32>
    %reduce_min3A_65 = arith.constant dense<2147483647> : vector<128xi32>
    %reduce_min3A_66 = vector.multi_reduction <minsi>, %select_n3A_64, %reduce_min3A_65 [0] : vector<4096x128xi32> to vector<128xi32>
    %broadcast_in_dim3A_67 = vector.shape_cast %reduce_min3A_66 : vector<128xi32> to vector<1x128xi32>
    %and3A_68 = arith.constant 4095 : i32
    %and3A_69 = vector.broadcast %and3A_68 : i32 to vector<1x128xi32>
    %and3A_70 = arith.andi %broadcast_in_dim3A_67, %and3A_69 : vector<1x128xi32>
    %eq3A_71 = vector.broadcast %broadcast_in_dim3A_67 : vector<1x128xi32> to vector<4096x128xi32>
    %eq3A_72 = arith.cmpi eq, %select_n3A_64, %eq3A_71 : vector<4096x128xi32>
    %jit3A_73 = arith.constant 2147483647 : i32
    %broadcast_in_dim3A_74 = vector.broadcast %jit3A_73 : i32 to vector<4096x128xi32>
    %select_n3A_75 = arith.select %eq3A_72, %broadcast_in_dim3A_74, %select_n3A_64 : vector<4096x128xi1>, vector<4096x128xi32>
    %reduce_min3A_76 = arith.constant dense<2147483647> : vector<128xi32>
    %reduce_min3A_77 = vector.multi_reduction <minsi>, %select_n3A_75, %reduce_min3A_76 [0] : vector<4096x128xi32> to vector<128xi32>
    %broadcast_in_dim3A_78 = vector.shape_cast %reduce_min3A_77 : vector<128xi32> to vector<1x128xi32>
    %and3A_79 = arith.constant 4095 : i32
    %and3A_80 = vector.broadcast %and3A_79 : i32 to vector<1x128xi32>
    %and3A_81 = arith.andi %broadcast_in_dim3A_78, %and3A_80 : vector<1x128xi32>
    %eq3A_82 = vector.broadcast %broadcast_in_dim3A_78 : vector<1x128xi32> to vector<4096x128xi32>
    %eq3A_83 = arith.cmpi eq, %select_n3A_75, %eq3A_82 : vector<4096x128xi32>
    %jit3A_84 = arith.constant 2147483647 : i32
    %broadcast_in_dim3A_85 = vector.broadcast %jit3A_84 : i32 to vector<4096x128xi32>
    %select_n3A_86 = arith.select %eq3A_83, %broadcast_in_dim3A_85, %select_n3A_75 : vector<4096x128xi1>, vector<4096x128xi32>
    %reduce_min3A_87 = arith.constant dense<2147483647> : vector<128xi32>
    %reduce_min3A_88 = vector.multi_reduction <minsi>, %select_n3A_86, %reduce_min3A_87 [0] : vector<4096x128xi32> to vector<128xi32>
    %broadcast_in_dim3A_89 = vector.shape_cast %reduce_min3A_88 : vector<128xi32> to vector<1x128xi32>
    %and3A_90 = arith.constant 4095 : i32
    %and3A_91 = vector.broadcast %and3A_90 : i32 to vector<1x128xi32>
    %and3A_92 = arith.andi %broadcast_in_dim3A_89, %and3A_91 : vector<1x128xi32>
    %eq3A_93 = vector.broadcast %broadcast_in_dim3A_89 : vector<1x128xi32> to vector<4096x128xi32>
    %eq3A_94 = arith.cmpi eq, %select_n3A_86, %eq3A_93 : vector<4096x128xi32>
    %jit3A_95 = arith.constant 2147483647 : i32
    %broadcast_in_dim3A_96 = vector.broadcast %jit3A_95 : i32 to vector<4096x128xi32>
    %select_n3A_97 = arith.select %eq3A_94, %broadcast_in_dim3A_96, %select_n3A_86 : vector<4096x128xi1>, vector<4096x128xi32>
    %reduce_min3A_98 = arith.constant dense<2147483647> : vector<128xi32>
    %reduce_min3A_99 = vector.multi_reduction <minsi>, %select_n3A_97, %reduce_min3A_98 [0] : vector<4096x128xi32> to vector<128xi32>
    %broadcast_in_dim3A_100 = vector.shape_cast %reduce_min3A_99 : vector<128xi32> to vector<1x128xi32>
    %and3A_101 = arith.constant 4095 : i32
    %and3A_102 = vector.broadcast %and3A_101 : i32 to vector<1x128xi32>
    %and3A_103 = arith.andi %broadcast_in_dim3A_100, %and3A_102 : vector<1x128xi32>
    %eq3A_104 = vector.broadcast %broadcast_in_dim3A_100 : vector<1x128xi32> to vector<4096x128xi32>
    %eq3A_105 = arith.cmpi eq, %select_n3A_97, %eq3A_104 : vector<4096x128xi32>
    %jit3A_106 = arith.constant 2147483647 : i32
    %broadcast_in_dim3A_107 = vector.broadcast %jit3A_106 : i32 to vector<4096x128xi32>
    %select_n3A_108 = arith.select %eq3A_105, %broadcast_in_dim3A_107, %select_n3A_97 : vector<4096x128xi1>, vector<4096x128xi32>
    %reduce_min3A_109 = arith.constant dense<2147483647> : vector<128xi32>
    %reduce_min3A_110 = vector.multi_reduction <minsi>, %select_n3A_108, %reduce_min3A_109 [0] : vector<4096x128xi32> to vector<128xi32>
    %broadcast_in_dim3A_111 = vector.shape_cast %reduce_min3A_110 : vector<128xi32> to vector<1x128xi32>
    %and3A_112 = arith.constant 4095 : i32
    %and3A_113 = vector.broadcast %and3A_112 : i32 to vector<1x128xi32>
    %and3A_114 = arith.andi %broadcast_in_dim3A_111, %and3A_113 : vector<1x128xi32>
    %eq3A_115 = vector.broadcast %broadcast_in_dim3A_111 : vector<1x128xi32> to vector<4096x128xi32>
    %eq3A_116 = arith.cmpi eq, %select_n3A_108, %eq3A_115 : vector<4096x128xi32>
    %jit3A_117 = arith.constant 2147483647 : i32
    %broadcast_in_dim3A_118 = vector.broadcast %jit3A_117 : i32 to vector<4096x128xi32>
    %select_n3A_119 = arith.select %eq3A_116, %broadcast_in_dim3A_118, %select_n3A_108 : vector<4096x128xi1>, vector<4096x128xi32>
    %reduce_min3A_120 = arith.constant dense<2147483647> : vector<128xi32>
    %reduce_min3A_121 = vector.multi_reduction <minsi>, %select_n3A_119, %reduce_min3A_120 [0] : vector<4096x128xi32> to vector<128xi32>
    %broadcast_in_dim3A_122 = vector.shape_cast %reduce_min3A_121 : vector<128xi32> to vector<1x128xi32>
    %and3A_123 = arith.constant 4095 : i32
    %and3A_124 = vector.broadcast %and3A_123 : i32 to vector<1x128xi32>
    %and3A_125 = arith.andi %broadcast_in_dim3A_122, %and3A_124 : vector<1x128xi32>
    %eq3A_126 = vector.broadcast %broadcast_in_dim3A_122 : vector<1x128xi32> to vector<4096x128xi32>
    %eq3A_127 = arith.cmpi eq, %select_n3A_119, %eq3A_126 : vector<4096x128xi32>
    %jit3A_128 = arith.constant 2147483647 : i32
    %broadcast_in_dim3A_129 = vector.broadcast %jit3A_128 : i32 to vector<4096x128xi32>
    %select_n3A_130 = arith.select %eq3A_127, %broadcast_in_dim3A_129, %select_n3A_119 : vector<4096x128xi1>, vector<4096x128xi32>
    %reduce_min3A_131 = arith.constant dense<2147483647> : vector<128xi32>
    %reduce_min3A_132 = vector.multi_reduction <minsi>, %select_n3A_130, %reduce_min3A_131 [0] : vector<4096x128xi32> to vector<128xi32>
    %broadcast_in_dim3A_133 = vector.shape_cast %reduce_min3A_132 : vector<128xi32> to vector<1x128xi32>
    %and3A_134 = arith.constant 4095 : i32
    %and3A_135 = vector.broadcast %and3A_134 : i32 to vector<1x128xi32>
    %and3A_136 = arith.andi %broadcast_in_dim3A_133, %and3A_135 : vector<1x128xi32>
    %eq3A_137 = vector.broadcast %broadcast_in_dim3A_133 : vector<1x128xi32> to vector<4096x128xi32>
    %eq3A_138 = arith.cmpi eq, %select_n3A_130, %eq3A_137 : vector<4096x128xi32>
    %jit3A_139 = arith.constant 2147483647 : i32
    %broadcast_in_dim3A_140 = vector.broadcast %jit3A_139 : i32 to vector<4096x128xi32>
    %select_n3A_141 = arith.select %eq3A_138, %broadcast_in_dim3A_140, %select_n3A_130 : vector<4096x128xi1>, vector<4096x128xi32>
    %reduce_min3A_142 = arith.constant dense<2147483647> : vector<128xi32>
    %reduce_min3A_143 = vector.multi_reduction <minsi>, %select_n3A_141, %reduce_min3A_142 [0] : vector<4096x128xi32> to vector<128xi32>
    %broadcast_in_dim3A_144 = vector.shape_cast %reduce_min3A_143 : vector<128xi32> to vector<1x128xi32>
    %and3A_145 = arith.constant 4095 : i32
    %and3A_146 = vector.broadcast %and3A_145 : i32 to vector<1x128xi32>
    %and3A_147 = arith.andi %broadcast_in_dim3A_144, %and3A_146 : vector<1x128xi32>
    %eq3A_148 = vector.broadcast %broadcast_in_dim3A_144 : vector<1x128xi32> to vector<4096x128xi32>
    %eq3A_149 = arith.cmpi eq, %select_n3A_141, %eq3A_148 : vector<4096x128xi32>
    %jit3A_150 = arith.constant 2147483647 : i32
    %broadcast_in_dim3A_151 = vector.broadcast %jit3A_150 : i32 to vector<4096x128xi32>
    %select_n3A_152 = arith.select %eq3A_149, %broadcast_in_dim3A_151, %select_n3A_141 : vector<4096x128xi1>, vector<4096x128xi32>
    %reduce_min3A_153 = arith.constant dense<2147483647> : vector<128xi32>
    %reduce_min3A_154 = vector.multi_reduction <minsi>, %select_n3A_152, %reduce_min3A_153 [0] : vector<4096x128xi32> to vector<128xi32>
    %broadcast_in_dim3A_155 = vector.shape_cast %reduce_min3A_154 : vector<128xi32> to vector<1x128xi32>
    %and3A_156 = arith.constant 4095 : i32
    %and3A_157 = vector.broadcast %and3A_156 : i32 to vector<1x128xi32>
    %and3A_158 = arith.andi %broadcast_in_dim3A_155, %and3A_157 : vector<1x128xi32>
    %eq3A_159 = vector.broadcast %broadcast_in_dim3A_155 : vector<1x128xi32> to vector<4096x128xi32>
    %eq3A_160 = arith.cmpi eq, %select_n3A_152, %eq3A_159 : vector<4096x128xi32>
    %jit3A_161 = arith.constant 2147483647 : i32
    %broadcast_in_dim3A_162 = vector.broadcast %jit3A_161 : i32 to vector<4096x128xi32>
    %select_n3A_163 = arith.select %eq3A_160, %broadcast_in_dim3A_162, %select_n3A_152 : vector<4096x128xi1>, vector<4096x128xi32>
    %reduce_min3A_164 = arith.constant dense<2147483647> : vector<128xi32>
    %reduce_min3A_165 = vector.multi_reduction <minsi>, %select_n3A_163, %reduce_min3A_164 [0] : vector<4096x128xi32> to vector<128xi32>
    %broadcast_in_dim3A_166 = vector.shape_cast %reduce_min3A_165 : vector<128xi32> to vector<1x128xi32>
    %and3A_167 = arith.constant 4095 : i32
    %and3A_168 = vector.broadcast %and3A_167 : i32 to vector<1x128xi32>
    %and3A_169 = arith.andi %broadcast_in_dim3A_166, %and3A_168 : vector<1x128xi32>
    %eq3A_170 = vector.broadcast %broadcast_in_dim3A_166 : vector<1x128xi32> to vector<4096x128xi32>
    %eq3A_171 = arith.cmpi eq, %select_n3A_163, %eq3A_170 : vector<4096x128xi32>
    %jit3A_172 = arith.constant 2147483647 : i32
    %broadcast_in_dim3A_173 = vector.broadcast %jit3A_172 : i32 to vector<4096x128xi32>
    %select_n3A_174 = arith.select %eq3A_171, %broadcast_in_dim3A_173, %select_n3A_163 : vector<4096x128xi1>, vector<4096x128xi32>
    %reduce_min3A_175 = arith.constant dense<2147483647> : vector<128xi32>
    %reduce_min3A_176 = vector.multi_reduction <minsi>, %select_n3A_174, %reduce_min3A_175 [0] : vector<4096x128xi32> to vector<128xi32>
    %broadcast_in_dim3A_177 = vector.shape_cast %reduce_min3A_176 : vector<128xi32> to vector<1x128xi32>
    %and3A_178 = arith.constant 4095 : i32
    %and3A_179 = vector.broadcast %and3A_178 : i32 to vector<1x128xi32>
    %and3A_180 = arith.andi %broadcast_in_dim3A_177, %and3A_179 : vector<1x128xi32>
    %eq3A_181 = vector.broadcast %broadcast_in_dim3A_177 : vector<1x128xi32> to vector<4096x128xi32>
    %eq3A_182 = arith.cmpi eq, %select_n3A_174, %eq3A_181 : vector<4096x128xi32>
    %jit3A_183 = arith.constant 2147483647 : i32
    %broadcast_in_dim3A_184 = vector.broadcast %jit3A_183 : i32 to vector<4096x128xi32>
    %select_n3A_185 = arith.select %eq3A_182, %broadcast_in_dim3A_184, %select_n3A_174 : vector<4096x128xi1>, vector<4096x128xi32>
    %reduce_min3A_186 = arith.constant dense<2147483647> : vector<128xi32>
    %reduce_min3A_187 = vector.multi_reduction <minsi>, %select_n3A_185, %reduce_min3A_186 [0] : vector<4096x128xi32> to vector<128xi32>
    %broadcast_in_dim3A_188 = vector.shape_cast %reduce_min3A_187 : vector<128xi32> to vector<1x128xi32>
    %and3A_189 = arith.constant 4095 : i32
    %and3A_190 = vector.broadcast %and3A_189 : i32 to vector<1x128xi32>
    %and3A_191 = arith.andi %broadcast_in_dim3A_188, %and3A_190 : vector<1x128xi32>
    %eq3A_192 = vector.broadcast %broadcast_in_dim3A_188 : vector<1x128xi32> to vector<4096x128xi32>
    %eq3A_193 = arith.cmpi eq, %select_n3A_185, %eq3A_192 : vector<4096x128xi32>
    %jit3A_194 = arith.constant 2147483647 : i32
    %broadcast_in_dim3A_195 = vector.broadcast %jit3A_194 : i32 to vector<4096x128xi32>
    %select_n3A_196 = arith.select %eq3A_193, %broadcast_in_dim3A_195, %select_n3A_185 : vector<4096x128xi1>, vector<4096x128xi32>
    %reduce_min3A_197 = arith.constant dense<2147483647> : vector<128xi32>
    %reduce_min3A_198 = vector.multi_reduction <minsi>, %select_n3A_196, %reduce_min3A_197 [0] : vector<4096x128xi32> to vector<128xi32>
    %broadcast_in_dim3A_199 = vector.shape_cast %reduce_min3A_198 : vector<128xi32> to vector<1x128xi32>
    %and3A_200 = arith.constant 4095 : i32
    %and3A_201 = vector.broadcast %and3A_200 : i32 to vector<1x128xi32>
    %and3A_202 = arith.andi %broadcast_in_dim3A_199, %and3A_201 : vector<1x128xi32>
    %eq3A_203 = vector.broadcast %broadcast_in_dim3A_199 : vector<1x128xi32> to vector<4096x128xi32>
    %eq3A_204 = arith.cmpi eq, %select_n3A_196, %eq3A_203 : vector<4096x128xi32>
    %jit3A_205 = arith.constant 2147483647 : i32
    %broadcast_in_dim3A_206 = vector.broadcast %jit3A_205 : i32 to vector<4096x128xi32>
    %select_n3A_207 = arith.select %eq3A_204, %broadcast_in_dim3A_206, %select_n3A_196 : vector<4096x128xi1>, vector<4096x128xi32>
    %reduce_min3A_208 = arith.constant dense<2147483647> : vector<128xi32>
    %reduce_min3A_209 = vector.multi_reduction <minsi>, %select_n3A_207, %reduce_min3A_208 [0] : vector<4096x128xi32> to vector<128xi32>
    %broadcast_in_dim3A_210 = vector.shape_cast %reduce_min3A_209 : vector<128xi32> to vector<1x128xi32>
    %and3A_211 = arith.constant 4095 : i32
    %and3A_212 = vector.broadcast %and3A_211 : i32 to vector<1x128xi32>
    %and3A_213 = arith.andi %broadcast_in_dim3A_210, %and3A_212 : vector<1x128xi32>
    %eq3A_214 = vector.broadcast %broadcast_in_dim3A_210 : vector<1x128xi32> to vector<4096x128xi32>
    %eq3A_215 = arith.cmpi eq, %select_n3A_207, %eq3A_214 : vector<4096x128xi32>
    %jit3A_216 = arith.constant 2147483647 : i32
    %broadcast_in_dim3A_217 = vector.broadcast %jit3A_216 : i32 to vector<4096x128xi32>
    %select_n3A_218 = arith.select %eq3A_215, %broadcast_in_dim3A_217, %select_n3A_207 : vector<4096x128xi1>, vector<4096x128xi32>
    %reduce_min3A_219 = arith.constant dense<2147483647> : vector<128xi32>
    %reduce_min3A_220 = vector.multi_reduction <minsi>, %select_n3A_218, %reduce_min3A_219 [0] : vector<4096x128xi32> to vector<128xi32>
    %broadcast_in_dim3A_221 = vector.shape_cast %reduce_min3A_220 : vector<128xi32> to vector<1x128xi32>
    %and3A_222 = arith.constant 4095 : i32
    %and3A_223 = vector.broadcast %and3A_222 : i32 to vector<1x128xi32>
    %and3A_224 = arith.andi %broadcast_in_dim3A_221, %and3A_223 : vector<1x128xi32>
    %eq3A_225 = vector.broadcast %broadcast_in_dim3A_221 : vector<1x128xi32> to vector<4096x128xi32>
    %eq3A_226 = arith.cmpi eq, %select_n3A_218, %eq3A_225 : vector<4096x128xi32>
    %jit3A_227 = arith.constant 2147483647 : i32
    %broadcast_in_dim3A_228 = vector.broadcast %jit3A_227 : i32 to vector<4096x128xi32>
    %select_n3A_229 = arith.select %eq3A_226, %broadcast_in_dim3A_228, %select_n3A_218 : vector<4096x128xi1>, vector<4096x128xi32>
    %reduce_min3A_230 = arith.constant dense<2147483647> : vector<128xi32>
    %reduce_min3A_231 = vector.multi_reduction <minsi>, %select_n3A_229, %reduce_min3A_230 [0] : vector<4096x128xi32> to vector<128xi32>
    %broadcast_in_dim3A_232 = vector.shape_cast %reduce_min3A_231 : vector<128xi32> to vector<1x128xi32>
    %and3A_233 = arith.constant 4095 : i32
    %and3A_234 = vector.broadcast %and3A_233 : i32 to vector<1x128xi32>
    %and3A_235 = arith.andi %broadcast_in_dim3A_232, %and3A_234 : vector<1x128xi32>
    %eq3A_236 = vector.broadcast %broadcast_in_dim3A_232 : vector<1x128xi32> to vector<4096x128xi32>
    %eq3A_237 = arith.cmpi eq, %select_n3A_229, %eq3A_236 : vector<4096x128xi32>
    %jit3A_238 = arith.constant 2147483647 : i32
    %broadcast_in_dim3A_239 = vector.broadcast %jit3A_238 : i32 to vector<4096x128xi32>
    %select_n3A_240 = arith.select %eq3A_237, %broadcast_in_dim3A_239, %select_n3A_229 : vector<4096x128xi1>, vector<4096x128xi32>
    %reduce_min3A_241 = arith.constant dense<2147483647> : vector<128xi32>
    %reduce_min3A_242 = vector.multi_reduction <minsi>, %select_n3A_240, %reduce_min3A_241 [0] : vector<4096x128xi32> to vector<128xi32>
    %broadcast_in_dim3A_243 = vector.shape_cast %reduce_min3A_242 : vector<128xi32> to vector<1x128xi32>
    %and3A_244 = arith.constant 4095 : i32
    %and3A_245 = vector.broadcast %and3A_244 : i32 to vector<1x128xi32>
    %and3A_246 = arith.andi %broadcast_in_dim3A_243, %and3A_245 : vector<1x128xi32>
    %eq3A_247 = vector.broadcast %broadcast_in_dim3A_243 : vector<1x128xi32> to vector<4096x128xi32>
    %eq3A_248 = arith.cmpi eq, %select_n3A_240, %eq3A_247 : vector<4096x128xi32>
    %jit3A_249 = arith.constant 2147483647 : i32
    %broadcast_in_dim3A_250 = vector.broadcast %jit3A_249 : i32 to vector<4096x128xi32>
    %select_n3A_251 = arith.select %eq3A_248, %broadcast_in_dim3A_250, %select_n3A_240 : vector<4096x128xi1>, vector<4096x128xi32>
    %reduce_min3A_252 = arith.constant dense<2147483647> : vector<128xi32>
    %reduce_min3A_253 = vector.multi_reduction <minsi>, %select_n3A_251, %reduce_min3A_252 [0] : vector<4096x128xi32> to vector<128xi32>
    %broadcast_in_dim3A_254 = vector.shape_cast %reduce_min3A_253 : vector<128xi32> to vector<1x128xi32>
    %and3A_255 = arith.constant 4095 : i32
    %and3A_256 = vector.broadcast %and3A_255 : i32 to vector<1x128xi32>
    %and3A_257 = arith.andi %broadcast_in_dim3A_254, %and3A_256 : vector<1x128xi32>
    %eq3A_258 = vector.broadcast %broadcast_in_dim3A_254 : vector<1x128xi32> to vector<4096x128xi32>
    %eq3A_259 = arith.cmpi eq, %select_n3A_251, %eq3A_258 : vector<4096x128xi32>
    %jit3A_260 = arith.constant 2147483647 : i32
    %broadcast_in_dim3A_261 = vector.broadcast %jit3A_260 : i32 to vector<4096x128xi32>
    %select_n3A_262 = arith.select %eq3A_259, %broadcast_in_dim3A_261, %select_n3A_251 : vector<4096x128xi1>, vector<4096x128xi32>
    %reduce_min3A_263 = arith.constant dense<2147483647> : vector<128xi32>
    %reduce_min3A_264 = vector.multi_reduction <minsi>, %select_n3A_262, %reduce_min3A_263 [0] : vector<4096x128xi32> to vector<128xi32>
    %broadcast_in_dim3A_265 = vector.shape_cast %reduce_min3A_264 : vector<128xi32> to vector<1x128xi32>
    %and3A_266 = arith.constant 4095 : i32
    %and3A_267 = vector.broadcast %and3A_266 : i32 to vector<1x128xi32>
    %and3A_268 = arith.andi %broadcast_in_dim3A_265, %and3A_267 : vector<1x128xi32>
    %eq3A_269 = vector.broadcast %broadcast_in_dim3A_265 : vector<1x128xi32> to vector<4096x128xi32>
    %eq3A_270 = arith.cmpi eq, %select_n3A_262, %eq3A_269 : vector<4096x128xi32>
    %jit3A_271 = arith.constant 2147483647 : i32
    %broadcast_in_dim3A_272 = vector.broadcast %jit3A_271 : i32 to vector<4096x128xi32>
    %select_n3A_273 = arith.select %eq3A_270, %broadcast_in_dim3A_272, %select_n3A_262 : vector<4096x128xi1>, vector<4096x128xi32>
    %reduce_min3A_274 = arith.constant dense<2147483647> : vector<128xi32>
    %reduce_min3A_275 = vector.multi_reduction <minsi>, %select_n3A_273, %reduce_min3A_274 [0] : vector<4096x128xi32> to vector<128xi32>
    %broadcast_in_dim3A_276 = vector.shape_cast %reduce_min3A_275 : vector<128xi32> to vector<1x128xi32>
    %and3A_277 = arith.constant 4095 : i32
    %and3A_278 = vector.broadcast %and3A_277 : i32 to vector<1x128xi32>
    %and3A_279 = arith.andi %broadcast_in_dim3A_276, %and3A_278 : vector<1x128xi32>
    %eq3A_280 = vector.broadcast %broadcast_in_dim3A_276 : vector<1x128xi32> to vector<4096x128xi32>
    %eq3A_281 = arith.cmpi eq, %select_n3A_273, %eq3A_280 : vector<4096x128xi32>
    %jit3A_282 = arith.constant 2147483647 : i32
    %broadcast_in_dim3A_283 = vector.broadcast %jit3A_282 : i32 to vector<4096x128xi32>
    %select_n3A_284 = arith.select %eq3A_281, %broadcast_in_dim3A_283, %select_n3A_273 : vector<4096x128xi1>, vector<4096x128xi32>
    %reduce_min3A_285 = arith.constant dense<2147483647> : vector<128xi32>
    %reduce_min3A_286 = vector.multi_reduction <minsi>, %select_n3A_284, %reduce_min3A_285 [0] : vector<4096x128xi32> to vector<128xi32>
    %broadcast_in_dim3A_287 = vector.shape_cast %reduce_min3A_286 : vector<128xi32> to vector<1x128xi32>
    %and3A_288 = arith.constant 4095 : i32
    %and3A_289 = vector.broadcast %and3A_288 : i32 to vector<1x128xi32>
    %and3A_290 = arith.andi %broadcast_in_dim3A_287, %and3A_289 : vector<1x128xi32>
    %eq3A_291 = vector.broadcast %broadcast_in_dim3A_287 : vector<1x128xi32> to vector<4096x128xi32>
    %eq3A_292 = arith.cmpi eq, %select_n3A_284, %eq3A_291 : vector<4096x128xi32>
    %jit3A_293 = arith.constant 2147483647 : i32
    %broadcast_in_dim3A_294 = vector.broadcast %jit3A_293 : i32 to vector<4096x128xi32>
    %select_n3A_295 = arith.select %eq3A_292, %broadcast_in_dim3A_294, %select_n3A_284 : vector<4096x128xi1>, vector<4096x128xi32>
    %reduce_min3A_296 = arith.constant dense<2147483647> : vector<128xi32>
    %reduce_min3A_297 = vector.multi_reduction <minsi>, %select_n3A_295, %reduce_min3A_296 [0] : vector<4096x128xi32> to vector<128xi32>
    %broadcast_in_dim3A_298 = vector.shape_cast %reduce_min3A_297 : vector<128xi32> to vector<1x128xi32>
    %and3A_299 = arith.constant 4095 : i32
    %and3A_300 = vector.broadcast %and3A_299 : i32 to vector<1x128xi32>
    %and3A_301 = arith.andi %broadcast_in_dim3A_298, %and3A_300 : vector<1x128xi32>
    %eq3A_302 = vector.broadcast %broadcast_in_dim3A_298 : vector<1x128xi32> to vector<4096x128xi32>
    %eq3A_303 = arith.cmpi eq, %select_n3A_295, %eq3A_302 : vector<4096x128xi32>
    %jit3A_304 = arith.constant 2147483647 : i32
    %broadcast_in_dim3A_305 = vector.broadcast %jit3A_304 : i32 to vector<4096x128xi32>
    %select_n3A_306 = arith.select %eq3A_303, %broadcast_in_dim3A_305, %select_n3A_295 : vector<4096x128xi1>, vector<4096x128xi32>
    %reduce_min3A_307 = arith.constant dense<2147483647> : vector<128xi32>
    %reduce_min3A_308 = vector.multi_reduction <minsi>, %select_n3A_306, %reduce_min3A_307 [0] : vector<4096x128xi32> to vector<128xi32>
    %broadcast_in_dim3A_309 = vector.shape_cast %reduce_min3A_308 : vector<128xi32> to vector<1x128xi32>
    %and3A_310 = arith.constant 4095 : i32
    %and3A_311 = vector.broadcast %and3A_310 : i32 to vector<1x128xi32>
    %and3A_312 = arith.andi %broadcast_in_dim3A_309, %and3A_311 : vector<1x128xi32>
    %eq3A_313 = vector.broadcast %broadcast_in_dim3A_309 : vector<1x128xi32> to vector<4096x128xi32>
    %eq3A_314 = arith.cmpi eq, %select_n3A_306, %eq3A_313 : vector<4096x128xi32>
    %jit3A_315 = arith.constant 2147483647 : i32
    %broadcast_in_dim3A_316 = vector.broadcast %jit3A_315 : i32 to vector<4096x128xi32>
    %select_n3A_317 = arith.select %eq3A_314, %broadcast_in_dim3A_316, %select_n3A_306 : vector<4096x128xi1>, vector<4096x128xi32>
    %reduce_min3A_318 = arith.constant dense<2147483647> : vector<128xi32>
    %reduce_min3A_319 = vector.multi_reduction <minsi>, %select_n3A_317, %reduce_min3A_318 [0] : vector<4096x128xi32> to vector<128xi32>
    %broadcast_in_dim3A_320 = vector.shape_cast %reduce_min3A_319 : vector<128xi32> to vector<1x128xi32>
    %and3A_321 = arith.constant 4095 : i32
    %and3A_322 = vector.broadcast %and3A_321 : i32 to vector<1x128xi32>
    %and3A_323 = arith.andi %broadcast_in_dim3A_320, %and3A_322 : vector<1x128xi32>
    %eq3A_324 = vector.broadcast %broadcast_in_dim3A_320 : vector<1x128xi32> to vector<4096x128xi32>
    %eq3A_325 = arith.cmpi eq, %select_n3A_317, %eq3A_324 : vector<4096x128xi32>
    %jit3A_326 = arith.constant 2147483647 : i32
    %broadcast_in_dim3A_327 = vector.broadcast %jit3A_326 : i32 to vector<4096x128xi32>
    %select_n3A_328 = arith.select %eq3A_325, %broadcast_in_dim3A_327, %select_n3A_317 : vector<4096x128xi1>, vector<4096x128xi32>
    %reduce_min3A_329 = arith.constant dense<2147483647> : vector<128xi32>
    %reduce_min3A_330 = vector.multi_reduction <minsi>, %select_n3A_328, %reduce_min3A_329 [0] : vector<4096x128xi32> to vector<128xi32>
    %broadcast_in_dim3A_331 = vector.shape_cast %reduce_min3A_330 : vector<128xi32> to vector<1x128xi32>
    %and3A_332 = arith.constant 4095 : i32
    %and3A_333 = vector.broadcast %and3A_332 : i32 to vector<1x128xi32>
    %and3A_334 = arith.andi %broadcast_in_dim3A_331, %and3A_333 : vector<1x128xi32>
    %eq3A_335 = vector.broadcast %broadcast_in_dim3A_331 : vector<1x128xi32> to vector<4096x128xi32>
    %eq3A_336 = arith.cmpi eq, %select_n3A_328, %eq3A_335 : vector<4096x128xi32>
    %jit3A_337 = arith.constant 2147483647 : i32
    %broadcast_in_dim3A_338 = vector.broadcast %jit3A_337 : i32 to vector<4096x128xi32>
    %select_n3A_339 = arith.select %eq3A_336, %broadcast_in_dim3A_338, %select_n3A_328 : vector<4096x128xi1>, vector<4096x128xi32>
    %reduce_min3A_340 = arith.constant dense<2147483647> : vector<128xi32>
    %reduce_min3A_341 = vector.multi_reduction <minsi>, %select_n3A_339, %reduce_min3A_340 [0] : vector<4096x128xi32> to vector<128xi32>
    %broadcast_in_dim3A_342 = vector.shape_cast %reduce_min3A_341 : vector<128xi32> to vector<1x128xi32>
    %and3A_343 = arith.constant 4095 : i32
    %and3A_344 = vector.broadcast %and3A_343 : i32 to vector<1x128xi32>
    %and3A_345 = arith.andi %broadcast_in_dim3A_342, %and3A_344 : vector<1x128xi32>
    %eq3A_346 = vector.broadcast %broadcast_in_dim3A_342 : vector<1x128xi32> to vector<4096x128xi32>
    %eq3A_347 = arith.cmpi eq, %select_n3A_339, %eq3A_346 : vector<4096x128xi32>
    %jit3A_348 = arith.constant 2147483647 : i32
    %broadcast_in_dim3A_349 = vector.broadcast %jit3A_348 : i32 to vector<4096x128xi32>
    %select_n3A_350 = arith.select %eq3A_347, %broadcast_in_dim3A_349, %select_n3A_339 : vector<4096x128xi1>, vector<4096x128xi32>
    %reduce_min3A_351 = arith.constant dense<2147483647> : vector<128xi32>
    %reduce_min3A_352 = vector.multi_reduction <minsi>, %select_n3A_350, %reduce_min3A_351 [0] : vector<4096x128xi32> to vector<128xi32>
    %broadcast_in_dim3A_353 = vector.shape_cast %reduce_min3A_352 : vector<128xi32> to vector<1x128xi32>
    %and3A_354 = arith.constant 4095 : i32
    %and3A_355 = vector.broadcast %and3A_354 : i32 to vector<1x128xi32>
    %and3A_356 = arith.andi %broadcast_in_dim3A_353, %and3A_355 : vector<1x128xi32>
    %eq3A_357 = vector.broadcast %broadcast_in_dim3A_353 : vector<1x128xi32> to vector<4096x128xi32>
    %eq3A_358 = arith.cmpi eq, %select_n3A_350, %eq3A_357 : vector<4096x128xi32>
    %jit3A_359 = arith.constant 2147483647 : i32
    %broadcast_in_dim3A_360 = vector.broadcast %jit3A_359 : i32 to vector<4096x128xi32>
    %select_n3A_361 = arith.select %eq3A_358, %broadcast_in_dim3A_360, %select_n3A_350 : vector<4096x128xi1>, vector<4096x128xi32>
    %reduce_min3A_362 = arith.constant dense<2147483647> : vector<128xi32>
    %reduce_min3A_363 = vector.multi_reduction <minsi>, %select_n3A_361, %reduce_min3A_362 [0] : vector<4096x128xi32> to vector<128xi32>
    %broadcast_in_dim3A_364 = vector.shape_cast %reduce_min3A_363 : vector<128xi32> to vector<1x128xi32>
    %and3A_365 = arith.constant 4095 : i32
    %and3A_366 = vector.broadcast %and3A_365 : i32 to vector<1x128xi32>
    %and3A_367 = arith.andi %broadcast_in_dim3A_364, %and3A_366 : vector<1x128xi32>
    %eq3A_368 = vector.broadcast %broadcast_in_dim3A_364 : vector<1x128xi32> to vector<4096x128xi32>
    %eq3A_369 = arith.cmpi eq, %select_n3A_361, %eq3A_368 : vector<4096x128xi32>
    %jit3A_370 = arith.constant 2147483647 : i32
    %broadcast_in_dim3A_371 = vector.broadcast %jit3A_370 : i32 to vector<4096x128xi32>
    %select_n3A_372 = arith.select %eq3A_369, %broadcast_in_dim3A_371, %select_n3A_361 : vector<4096x128xi1>, vector<4096x128xi32>
    %concatenate3A = tpu.concatenate %and3A_29, %and3A_37, %and3A_48, %and3A_59, %and3A_70, %and3A_81, %and3A_92, %and3A_103, %and3A_114, %and3A_125, %and3A_136, %and3A_147, %and3A_158, %and3A_169, %and3A_180, %and3A_191, %and3A_202, %and3A_213, %and3A_224, %and3A_235, %and3A_246, %and3A_257, %and3A_268, %and3A_279, %and3A_290, %and3A_301, %and3A_312, %and3A_323, %and3A_334, %and3A_345, %and3A_356, %and3A_367 in 0 : vector<1x128xi32>, vector<1x128xi32>, vector<1x128xi32>, vector<1x128xi32>, vector<1x128xi32>, vector<1x128xi32>, vector<1x128xi32>, vector<1x128xi32>, vector<1x128xi32>, vector<1x128xi32>, vector<1x128xi32>, vector<1x128xi32>, vector<1x128xi32>, vector<1x128xi32>, vector<1x128xi32>, vector<1x128xi32>, vector<1x128xi32>, vector<1x128xi32>, vector<1x128xi32>, vector<1x128xi32>, vector<1x128xi32>, vector<1x128xi32>, vector<1x128xi32>, vector<1x128xi32>, vector<1x128xi32>, vector<1x128xi32>, vector<1x128xi32>, vector<1x128xi32>, vector<1x128xi32>, vector<1x128xi32>, vector<1x128xi32>, vector<1x128xi32> -> vector<32x128xi32>
    %eq3A_373 = arith.constant 2147483647 : i32
    %eq3A_374 = vector.broadcast %eq3A_373 : i32 to vector<4096x128xi32>
    %eq3A_375 = arith.cmpi eq, %select_n3A_372, %eq3A_374 : vector<4096x128xi32>
    %jit3A_376 = arith.constant -2147483648 : i32
    %broadcast_in_dim3A_377 = vector.broadcast %jit3A_376 : i32 to vector<4096x128xi32>
    %select_n3A_378 = arith.select %eq3A_375, %bitcast_convert_type3A, %broadcast_in_dim3A_377 : vector<4096x128xi1>, vector<4096x128xi32>
    %reduce_max3A = arith.constant dense<-2147483648> : vector<128xi32>
    %reduce_max3A_379 = vector.multi_reduction <maxsi>, %select_n3A_378, %reduce_max3A [0] : vector<4096x128xi32> to vector<128xi32>
    %broadcast_in_dim3A_380 = vector.shape_cast %reduce_max3A_379 : vector<128xi32> to vector<1x128xi32>
    %jit3A_381 = arith.constant 2147483647 : i32
    %broadcast_in_dim3A_382 = vector.broadcast %jit3A_381 : i32 to vector<4096x128xi32>
    %select_n3A_383 = arith.select %eq3A_375, %broadcast_in_dim3A_382, %bitcast_convert_type3A : vector<4096x128xi1>, vector<4096x128xi32>
    %reduce_min3A_384 = arith.constant dense<2147483647> : vector<128xi32>
    %reduce_min3A_385 = vector.multi_reduction <minsi>, %select_n3A_383, %reduce_min3A_384 [0] : vector<4096x128xi32> to vector<128xi32>
    %broadcast_in_dim3A_386 = vector.shape_cast %reduce_min3A_385 : vector<128xi32> to vector<1x128xi32>
    %gt3A = arith.cmpi sgt, %broadcast_in_dim3A_380, %broadcast_in_dim3A_386 : vector<1x128xi32>
    %eq3A_387 = vector.broadcast %broadcast_in_dim3A_380 : vector<1x128xi32> to vector<4096x128xi32>
    %eq3A_388 = arith.cmpi eq, %bitcast_convert_type3A, %eq3A_387 : vector<4096x128xi32>
    %and3A_389 = arith.andi %eq3A_375, %eq3A_388 : vector<4096x128xi1>
    %jit3A_390 = arith.constant 4096 : i32
    %broadcast_in_dim3A_391 = vector.broadcast %jit3A_390 : i32 to vector<4096x128xi32>
    %select_n3A_392 = arith.select %and3A_389, %iota3A, %broadcast_in_dim3A_391 : vector<4096x128xi1>, vector<4096x128xi32>
    %reduce_min3A_393 = arith.constant dense<2147483647> : vector<128xi32>
    %reduce_min3A_394 = vector.multi_reduction <minsi>, %select_n3A_392, %reduce_min3A_393 [0] : vector<4096x128xi32> to vector<128xi32>
    %broadcast_in_dim3A_395 = vector.shape_cast %reduce_min3A_394 : vector<128xi32> to vector<1x128xi32>
    %not3A = arith.constant dense<true> : vector<4096x128xi1>
    %not3A_396 = arith.xori %eq3A_375, %not3A : vector<4096x128xi1>
    %eq3A_397 = vector.broadcast %broadcast_in_dim3A_386 : vector<1x128xi32> to vector<4096x128xi32>
    %eq3A_398 = arith.cmpi eq, %bitcast_convert_type3A, %eq3A_397 : vector<4096x128xi32>
    %and3A_399 = arith.andi %not3A_396, %eq3A_398 : vector<4096x128xi1>
    %jit3A_400 = arith.constant 4096 : i32
    %broadcast_in_dim3A_401 = vector.broadcast %jit3A_400 : i32 to vector<4096x128xi32>
    %select_n3A_402 = arith.select %and3A_399, %iota3A, %broadcast_in_dim3A_401 : vector<4096x128xi1>, vector<4096x128xi32>
    %reduce_min3A_403 = arith.constant dense<2147483647> : vector<128xi32>
    %reduce_min3A_404 = vector.multi_reduction <minsi>, %select_n3A_402, %reduce_min3A_403 [0] : vector<4096x128xi32> to vector<128xi32>
    %broadcast_in_dim3A_405 = vector.shape_cast %reduce_min3A_404 : vector<128xi32> to vector<1x128xi32>
    %eq3A_406 = vector.broadcast %broadcast_in_dim3A_395 : vector<1x128xi32> to vector<32x128xi32>
    %eq3A_407 = arith.cmpi eq, %concatenate3A, %eq3A_406 : vector<32x128xi32>
    %and3A_408 = vector.broadcast %gt3A : vector<1x128xi1> to vector<32x128xi1>
    %and3A_409 = arith.andi %and3A_408, %eq3A_407 : vector<32x128xi1>
    %broadcast_in_dim3A_410 = vector.shape_cast %broadcast_in_dim3A_405 : vector<1x128xi32> to vector<1x128xi32>
    %broadcast_in_dim3A_411 = vector.broadcast %broadcast_in_dim3A_410 : vector<1x128xi32> to vector<32x128xi32>
    %select_n3A_412 = arith.select %and3A_409, %broadcast_in_dim3A_411, %concatenate3A : vector<32x128xi1>, vector<32x128xi32>
    %eq3A_413 = arith.constant 2147483647 : i32
    %eq3A_414 = vector.broadcast %eq3A_413 : i32 to vector<4096x128xi32>
    %eq3A_415 = arith.cmpi eq, %select_n3A_372, %eq3A_414 : vector<4096x128xi32>
    %jit3A_416 = arith.constant -2147483648 : i32
    %broadcast_in_dim3A_417 = vector.broadcast %jit3A_416 : i32 to vector<4096x128xi32>
    %select_n3A_418 = arith.select %eq3A_415, %bitcast_convert_type3A, %broadcast_in_dim3A_417 : vector<4096x128xi1>, vector<4096x128xi32>
    %reduce_max3A_419 = arith.constant dense<-2147483648> : vector<128xi32>
    %reduce_max3A_420 = vector.multi_reduction <maxsi>, %select_n3A_418, %reduce_max3A_419 [0] : vector<4096x128xi32> to vector<128xi32>
    %broadcast_in_dim3A_421 = vector.shape_cast %reduce_max3A_420 : vector<128xi32> to vector<1x128xi32>
    %jit3A_422 = arith.constant 2147483647 : i32
    %broadcast_in_dim3A_423 = vector.broadcast %jit3A_422 : i32 to vector<4096x128xi32>
    %select_n3A_424 = arith.select %eq3A_415, %broadcast_in_dim3A_423, %bitcast_convert_type3A : vector<4096x128xi1>, vector<4096x128xi32>
    %reduce_min3A_425 = arith.constant dense<2147483647> : vector<128xi32>
    %reduce_min3A_426 = vector.multi_reduction <minsi>, %select_n3A_424, %reduce_min3A_425 [0] : vector<4096x128xi32> to vector<128xi32>
    %broadcast_in_dim3A_427 = vector.shape_cast %reduce_min3A_426 : vector<128xi32> to vector<1x128xi32>
    %gt3A_428 = arith.cmpi sgt, %broadcast_in_dim3A_421, %broadcast_in_dim3A_427 : vector<1x128xi32>
    %eq3A_429 = vector.broadcast %broadcast_in_dim3A_421 : vector<1x128xi32> to vector<4096x128xi32>
    %eq3A_430 = arith.cmpi eq, %bitcast_convert_type3A, %eq3A_429 : vector<4096x128xi32>
    %and3A_431 = arith.andi %eq3A_415, %eq3A_430 : vector<4096x128xi1>
    %jit3A_432 = arith.constant 4096 : i32
    %broadcast_in_dim3A_433 = vector.broadcast %jit3A_432 : i32 to vector<4096x128xi32>
    %select_n3A_434 = arith.select %and3A_431, %iota3A, %broadcast_in_dim3A_433 : vector<4096x128xi1>, vector<4096x128xi32>
    %reduce_min3A_435 = arith.constant dense<2147483647> : vector<128xi32>
    %reduce_min3A_436 = vector.multi_reduction <minsi>, %select_n3A_434, %reduce_min3A_435 [0] : vector<4096x128xi32> to vector<128xi32>
    %broadcast_in_dim3A_437 = vector.shape_cast %reduce_min3A_436 : vector<128xi32> to vector<1x128xi32>
    %not3A_438 = arith.constant dense<true> : vector<4096x128xi1>
    %not3A_439 = arith.xori %eq3A_415, %not3A_438 : vector<4096x128xi1>
    %eq3A_440 = vector.broadcast %broadcast_in_dim3A_427 : vector<1x128xi32> to vector<4096x128xi32>
    %eq3A_441 = arith.cmpi eq, %bitcast_convert_type3A, %eq3A_440 : vector<4096x128xi32>
    %and3A_442 = arith.andi %not3A_439, %eq3A_441 : vector<4096x128xi1>
    %jit3A_443 = arith.constant 4096 : i32
    %broadcast_in_dim3A_444 = vector.broadcast %jit3A_443 : i32 to vector<4096x128xi32>
    %select_n3A_445 = arith.select %and3A_442, %iota3A, %broadcast_in_dim3A_444 : vector<4096x128xi1>, vector<4096x128xi32>
    %reduce_min3A_446 = arith.constant dense<2147483647> : vector<128xi32>
    %reduce_min3A_447 = vector.multi_reduction <minsi>, %select_n3A_445, %reduce_min3A_446 [0] : vector<4096x128xi32> to vector<128xi32>
    %broadcast_in_dim3A_448 = vector.shape_cast %reduce_min3A_447 : vector<128xi32> to vector<1x128xi32>
    %eq3A_449 = vector.broadcast %broadcast_in_dim3A_437 : vector<1x128xi32> to vector<32x128xi32>
    %eq3A_450 = arith.cmpi eq, %select_n3A_412, %eq3A_449 : vector<32x128xi32>
    %and3A_451 = vector.broadcast %gt3A_428 : vector<1x128xi1> to vector<32x128xi1>
    %and3A_452 = arith.andi %and3A_451, %eq3A_450 : vector<32x128xi1>
    %broadcast_in_dim3A_453 = vector.shape_cast %broadcast_in_dim3A_448 : vector<1x128xi32> to vector<1x128xi32>
    %broadcast_in_dim3A_454 = vector.broadcast %broadcast_in_dim3A_453 : vector<1x128xi32> to vector<32x128xi32>
    %select_n3A_455 = arith.select %and3A_452, %broadcast_in_dim3A_454, %select_n3A_412 : vector<32x128xi1>, vector<32x128xi32>
    %swap3A = arith.constant 0 : index
    %swap3A_456 = arith.constant 0 : index
    %swap3A_457 = arith.constant 0 : index
    %swap3A_458 = arith.constant 0 : index
    %swap3A_459 = vector.load %arg4[%swap3A, %swap3A_456, %swap3A_457, %swap3A_458] : memref<1x1x32x128xi32, #tpu.memory_space<vmem>>, vector<1x1x32x128xi32>
    %swap3A_460 = vector.shape_cast %swap3A_459 : vector<1x1x32x128xi32> to vector<32x128xi32>
    %swap3A_461 = vector.shape_cast %select_n3A_455 : vector<32x128xi32> to vector<1x1x32x128xi32>
    tpu.vector_store %arg4[%swap3A, %swap3A_456, %swap3A_457, %swap3A_458], %swap3A_461 {strides = array<i32>} : memref<1x1x32x128xi32, #tpu.memory_space<vmem>>, vector<1x1x32x128xi32>,
    return
  }
  func.func @transform_0(%arg0: i32, %arg1: i32) -> (i32, i32, i32) {
    %c0_i32 = arith.constant 0 : i32
    %c0_i32_0 = arith.constant 0 : i32
    %c0_i32_1 = arith.constant 0 : i32
    return %arg0, %c0_i32, %c0_i32_0 : i32, i32, i32
  }
  func.func @transform_1(%arg0: i32, %arg1: i32) -> (i32, i32, i32) {
    %c0_i32 = arith.constant 0 : i32
    %c0_i32_0 = arith.constant 0 : i32
    return %arg0, %c0_i32, %arg1 : i32, i32, i32
  }
  func.func @transform_2(%arg0: i32, %arg1: i32) -> (i32, i32, i32, i32) {
    %c0_i32 = arith.constant 0 : i32
    %c0_i32_0 = arith.constant 0 : i32
    %c0_i32_1 = arith.constant 0 : i32
    return %arg0, %arg1, %c0_i32, %c0_i32_0 : i32, i32, i32, i32
  }
}

module attributes {stable_mosaic.version = 14 : i64} {
  func.func @_passA_kernel(%arg0: i32, %arg1: memref<2048x128xf32, #tpu.memory_space<vmem>>, %arg2: memref<64x3xf32, #tpu.memory_space<vmem>>, %arg3: memref<128x64xf32, #tpu.memory_space<vmem>>, %arg4: memref<2048x64xf32, #tpu.memory_space<vmem>>, %arg5: memref<8x64xf32, #tpu.memory_space<vmem>>, %arg6: memref<8x64xf32, #tpu.memory_space<vmem>>) attributes {dimension_semantics = [#tpu.dimension_semantics<arbitrary>], iteration_bounds = array<i64: 128>, scalar_prefetch = 0 : i64, scratch_operands = 1 : i64, tpu.core_type = #tpu.core_type<tc>, window_params = [{transform_indices = @transform_0, window_bounds = array<i64: 2048, 128>}, {transform_indices = @transform_1, window_bounds = array<i64: 64, 3>}, {pipeline_mode = #tpu.pipeline_mode<synchronous>, transform_indices = @transform_2, window_bounds = array<i64: 128, 64>}, {transform_indices = @transform_3, window_bounds = array<i64: 2048, 64>}, {pipeline_mode = #tpu.pipeline_mode<synchronous>, transform_indices = @transform_4, window_bounds = array<i64: 8, 64>}]} {
    %eq3A = arith.constant 0 : i32
    %eq3A_0 = arith.cmpi eq, %arg0, %eq3A : i32
    %convert_element_type3A = arith.extui %eq3A_0 : i1 to i32
    %cond3A = arith.constant 0 : i32
    %cond3A_1 = arith.cmpi ne, %convert_element_type3A, %cond3A : i32
    scf.if %cond3A_1 {
      %broadcast_in_dim3A_40 = arith.constant 0.000000e+00 : f32
      %broadcast_in_dim3A_41 = vector.broadcast %broadcast_in_dim3A_40 : f32 to vector<8x64xf32>
      %swap3A_42 = arith.constant 0 : index
      %swap3A_43 = arith.constant 0 : index
      %swap3A_44 = vector.load %arg6[%swap3A_42, %swap3A_43] : memref<8x64xf32, #tpu.memory_space<vmem>>, vector<8x64xf32>
      tpu.vector_store %arg6[%swap3A_42, %swap3A_43], %broadcast_in_dim3A_41 {strides = array<i32>} : memref<8x64xf32, #tpu.memory_space<vmem>>, vector<8x64xf32>,
    } else {
    }
    %get3A = arith.constant 0 : index
    %get3A_2 = arith.constant 0 : index
    %get3A_3 = vector.load %arg1[%get3A, %get3A_2] : memref<2048x128xf32, #tpu.memory_space<vmem>>, vector<2048x128xf32>
    %get3A_4 = arith.constant 0 : index
    %get3A_5 = arith.constant 0 : index
    %get3A_6 = vector.load %arg3[%get3A_4, %get3A_5] : memref<128x64xf32, #tpu.memory_space<vmem>>, vector<128x64xf32>
    %dot_general3A = arith.constant dense<0.000000e+00> : vector<2048x64xf32>
    %dot_general3A_7 = tpu.matmul %get3A_3, %get3A_6, %dot_general3A {dimension_numbers = #tpu.dot_dimension_numbers<[1], [0], [0], [1], [0, 0, 1, 1], [], []>, transpose_lhs_hint = false} : vector<2048x128xf32>, vector<128x64xf32>, vector<2048x64xf32> -> vector<2048x64xf32>
    %get3A_8 = arith.constant 0 : index
    %get3A_9 = arith.constant 0 : index
    %get3A_10 = vector.load %arg2[%get3A_8, %get3A_9] : memref<64x3xf32, #tpu.memory_space<vmem>>, vector<64x3xf32>
    %slice3A = vector.extract_strided_slice %get3A_6 {offsets = [0, 0], sizes = [3, 64], strides = [1, 1]} : vector<128x64xf32> to vector<3x64xf32>
    %dot_general3A_11 = arith.constant dense<0.000000e+00> : vector<64x64xf32>
    %dot_general3A_12 = tpu.matmul %get3A_10, %slice3A, %dot_general3A_11 {dimension_numbers = #tpu.dot_dimension_numbers<[1], [0], [0], [1], [0, 0, 1, 1], [], []>, transpose_lhs_hint = false} : vector<64x3xf32>, vector<3x64xf32>, vector<64x64xf32> -> vector<64x64xf32>
    %broadcast_in_dim3A = vector.shape_cast %dot_general3A_12 : vector<64x64xf32> to vector<64x1x64xf32>
    %broadcast_in_dim3A_13 = vector.shape_cast %broadcast_in_dim3A : vector<64x1x64xf32> to vector<64x1x64xf32>
    %broadcast_in_dim3A_14 = vector.broadcast %broadcast_in_dim3A_13 : vector<64x1x64xf32> to vector<64x32x64xf32>
    %reshape3A = vector.shape_cast %broadcast_in_dim3A_14 : vector<64x32x64xf32> to vector<2048x64xf32>
    %sub3A = arith.subf %dot_general3A_7, %reshape3A : vector<2048x64xf32>
    %swap3A = arith.constant 0 : index
    %swap3A_15 = arith.constant 0 : index
    %swap3A_16 = vector.load %arg4[%swap3A, %swap3A_15] : memref<2048x64xf32, #tpu.memory_space<vmem>>, vector<2048x64xf32>
    tpu.vector_store %arg4[%swap3A, %swap3A_15], %sub3A {strides = array<i32>} : memref<2048x64xf32, #tpu.memory_space<vmem>>, vector<2048x64xf32>,
    %get3A_17 = arith.constant 0 : index
    %get3A_18 = arith.constant 0 : index
    %get3A_19 = vector.load %arg6[%get3A_17, %get3A_18] : memref<8x64xf32, #tpu.memory_space<vmem>>, vector<1x64xf32>
    %reduce_sum3A = arith.constant dense<0.000000e+00> : vector<64xf32>
    %reduce_sum3A_20 = vector.multi_reduction <add>, %sub3A, %reduce_sum3A [0] : vector<2048x64xf32> to vector<64xf32>
    %broadcast_in_dim3A_21 = vector.shape_cast %reduce_sum3A_20 : vector<64xf32> to vector<1x64xf32>
    %add3A = arith.addf %get3A_19, %broadcast_in_dim3A_21 : vector<1x64xf32>
    %swap3A_22 = arith.constant 0 : index
    %swap3A_23 = arith.constant 0 : index
    %swap3A_24 = vector.load %arg6[%swap3A_22, %swap3A_23] : memref<8x64xf32, #tpu.memory_space<vmem>>, vector<1x64xf32>
    tpu.vector_store %arg6[%swap3A_22, %swap3A_23], %add3A {strides = array<i32>} : memref<8x64xf32, #tpu.memory_space<vmem>>, vector<1x64xf32>,
    %get3A_25 = arith.constant 1 : index
    %get3A_26 = arith.constant 0 : index
    %get3A_27 = vector.load %arg6[%get3A_25, %get3A_26] : memref<8x64xf32, #tpu.memory_space<vmem>>, vector<1x64xf32>
    %mul3A = arith.mulf %sub3A, %sub3A : vector<2048x64xf32>
    %reduce_sum3A_28 = arith.constant dense<0.000000e+00> : vector<64xf32>
    %reduce_sum3A_29 = vector.multi_reduction <add>, %mul3A, %reduce_sum3A_28 [0] : vector<2048x64xf32> to vector<64xf32>
    %broadcast_in_dim3A_30 = vector.shape_cast %reduce_sum3A_29 : vector<64xf32> to vector<1x64xf32>
    %add3A_31 = arith.addf %get3A_27, %broadcast_in_dim3A_30 : vector<1x64xf32>
    %swap3A_32 = arith.constant 1 : index
    %swap3A_33 = arith.constant 0 : index
    %swap3A_34 = vector.load %arg6[%swap3A_32, %swap3A_33] : memref<8x64xf32, #tpu.memory_space<vmem>>, vector<1x64xf32>
    tpu.vector_store %arg6[%swap3A_32, %swap3A_33], %add3A_31 {strides = array<i32>} : memref<8x64xf32, #tpu.memory_space<vmem>>, vector<1x64xf32>,
    %eq3A_35 = arith.constant 127 : i32
    %eq3A_36 = arith.cmpi eq, %arg0, %eq3A_35 : i32
    %convert_element_type3A_37 = arith.extui %eq3A_36 : i1 to i32
    %cond3A_38 = arith.constant 0 : i32
    %cond3A_39 = arith.cmpi ne, %convert_element_type3A_37, %cond3A_38 : i32
    scf.if %cond3A_39 {
      %get3A_40 = arith.constant 0 : index
      %get3A_41 = arith.constant 0 : index
      %get3A_42 = vector.load %arg6[%get3A_40, %get3A_41] : memref<8x64xf32, #tpu.memory_space<vmem>>, vector<8x64xf32>
      %swap3A_43 = arith.constant 0 : index
      %swap3A_44 = arith.constant 0 : index
      %swap3A_45 = vector.load %arg5[%swap3A_43, %swap3A_44] : memref<8x64xf32, #tpu.memory_space<vmem>>, vector<8x64xf32>
      tpu.vector_store %arg5[%swap3A_43, %swap3A_44], %get3A_42 {strides = array<i32>} : memref<8x64xf32, #tpu.memory_space<vmem>>, vector<8x64xf32>,
    } else {
    }
    return
  }
  func.func @transform_0(%arg0: i32) -> (i32, i32) {
    %c0_i32 = arith.constant 0 : i32
    %c0_i32_0 = arith.constant 0 : i32
    return %arg0, %c0_i32 : i32, i32
  }
  func.func @transform_1(%arg0: i32) -> (i32, i32) {
    %c0_i32 = arith.constant 0 : i32
    %c0_i32_0 = arith.constant 0 : i32
    return %arg0, %c0_i32 : i32, i32
  }
  func.func @transform_2(%arg0: i32) -> (i32, i32) {
    %c0_i32 = arith.constant 0 : i32
    %c0_i32_0 = arith.constant 0 : i32
    %c0_i32_1 = arith.constant 0 : i32
    return %c0_i32, %c0_i32_0 : i32, i32
  }
  func.func @transform_3(%arg0: i32) -> (i32, i32) {
    %c0_i32 = arith.constant 0 : i32
    %c0_i32_0 = arith.constant 0 : i32
    return %arg0, %c0_i32 : i32, i32
  }
  func.func @transform_4(%arg0: i32) -> (i32, i32) {
    %c0_i32 = arith.constant 0 : i32
    %c0_i32_0 = arith.constant 0 : i32
    %c0_i32_1 = arith.constant 0 : i32
    return %c0_i32, %c0_i32_0 : i32, i32
  }
}

module attributes {stable_mosaic.version = 14 : i64} {
  func.func @_passBC_kernel(%arg0: i32, %arg1: memref<2048x64xf32, #tpu.memory_space<vmem>>, %arg2: memref<8x64xf32, #tpu.memory_space<vmem>>, %arg3: memref<64x64xf32, #tpu.memory_space<vmem>>, %arg4: memref<2048x64xf32, #tpu.memory_space<vmem>>, %arg5: memref<8x64xf32, #tpu.memory_space<vmem>>, %arg6: memref<8x64xf32, #tpu.memory_space<vmem>>) attributes {dimension_semantics = [#tpu.dimension_semantics<arbitrary>], iteration_bounds = array<i64: 128>, scalar_prefetch = 0 : i64, scratch_operands = 1 : i64, tpu.core_type = #tpu.core_type<tc>, window_params = [{transform_indices = @transform_0, window_bounds = array<i64: 2048, 64>}, {pipeline_mode = #tpu.pipeline_mode<synchronous>, transform_indices = @transform_1, window_bounds = array<i64: 8, 64>}, {pipeline_mode = #tpu.pipeline_mode<synchronous>, transform_indices = @transform_2, window_bounds = array<i64: 64, 64>}, {transform_indices = @transform_3, window_bounds = array<i64: 2048, 64>}, {pipeline_mode = #tpu.pipeline_mode<synchronous>, transform_indices = @transform_4, window_bounds = array<i64: 8, 64>}]} {
    %eq3A = arith.constant 0 : i32
    %eq3A_0 = arith.cmpi eq, %arg0, %eq3A : i32
    %convert_element_type3A = arith.extui %eq3A_0 : i1 to i32
    %cond3A = arith.constant 0 : i32
    %cond3A_1 = arith.cmpi ne, %convert_element_type3A, %cond3A : i32
    scf.if %cond3A_1 {
      %broadcast_in_dim3A_44 = arith.constant 0.000000e+00 : f32
      %broadcast_in_dim3A_45 = vector.broadcast %broadcast_in_dim3A_44 : f32 to vector<8x64xf32>
      %swap3A_46 = arith.constant 0 : index
      %swap3A_47 = arith.constant 0 : index
      %swap3A_48 = vector.load %arg6[%swap3A_46, %swap3A_47] : memref<8x64xf32, #tpu.memory_space<vmem>>, vector<8x64xf32>
      tpu.vector_store %arg6[%swap3A_46, %swap3A_47], %broadcast_in_dim3A_45 {strides = array<i32>} : memref<8x64xf32, #tpu.memory_space<vmem>>, vector<8x64xf32>,
    } else {
    }
    %get3A = arith.constant 0 : index
    %get3A_2 = arith.constant 0 : index
    %get3A_3 = vector.load %arg2[%get3A, %get3A_2] : memref<8x64xf32, #tpu.memory_space<vmem>>, vector<1x64xf32>
    %get3A_4 = arith.constant 1 : index
    %get3A_5 = arith.constant 0 : index
    %get3A_6 = vector.load %arg2[%get3A_4, %get3A_5] : memref<8x64xf32, #tpu.memory_space<vmem>>, vector<1x64xf32>
    %get3A_7 = arith.constant 0 : index
    %get3A_8 = arith.constant 0 : index
    %get3A_9 = vector.load %arg1[%get3A_7, %get3A_8] : memref<2048x64xf32, #tpu.memory_space<vmem>>, vector<2048x64xf32>
    %mul3A = vector.broadcast %get3A_3 : vector<1x64xf32> to vector<2048x64xf32>
    %mul3A_10 = arith.mulf %get3A_9, %mul3A : vector<2048x64xf32>
    %add3A = vector.broadcast %get3A_6 : vector<1x64xf32> to vector<2048x64xf32>
    %add3A_11 = arith.addf %mul3A_10, %add3A : vector<2048x64xf32>
    %max3A = arith.constant 0.000000e+00 : f32
    %max3A_12 = vector.broadcast %max3A : f32 to vector<2048x64xf32>
    %max3A_13 = arith.maximumf %add3A_11, %max3A_12 : vector<2048x64xf32>
    %get3A_14 = arith.constant 0 : index
    %get3A_15 = arith.constant 0 : index
    %get3A_16 = vector.load %arg3[%get3A_14, %get3A_15] : memref<64x64xf32, #tpu.memory_space<vmem>>, vector<64x64xf32>
    %dot_general3A = arith.constant dense<0.000000e+00> : vector<2048x64xf32>
    %dot_general3A_17 = tpu.matmul %max3A_13, %get3A_16, %dot_general3A {dimension_numbers = #tpu.dot_dimension_numbers<[1], [0], [0], [1], [0, 0, 1, 1], [], []>, transpose_lhs_hint = false} : vector<2048x64xf32>, vector<64x64xf32>, vector<2048x64xf32> -> vector<2048x64xf32>
    %swap3A = arith.constant 0 : index
    %swap3A_18 = arith.constant 0 : index
    %swap3A_19 = vector.load %arg4[%swap3A, %swap3A_18] : memref<2048x64xf32, #tpu.memory_space<vmem>>, vector<2048x64xf32>
    tpu.vector_store %arg4[%swap3A, %swap3A_18], %dot_general3A_17 {strides = array<i32>} : memref<2048x64xf32, #tpu.memory_space<vmem>>, vector<2048x64xf32>,
    %get3A_20 = arith.constant 0 : index
    %get3A_21 = arith.constant 0 : index
    %get3A_22 = vector.load %arg6[%get3A_20, %get3A_21] : memref<8x64xf32, #tpu.memory_space<vmem>>, vector<1x64xf32>
    %reduce_sum3A = arith.constant dense<0.000000e+00> : vector<64xf32>
    %reduce_sum3A_23 = vector.multi_reduction <add>, %dot_general3A_17, %reduce_sum3A [0] : vector<2048x64xf32> to vector<64xf32>
    %broadcast_in_dim3A = vector.shape_cast %reduce_sum3A_23 : vector<64xf32> to vector<1x64xf32>
    %add3A_24 = arith.addf %get3A_22, %broadcast_in_dim3A : vector<1x64xf32>
    %swap3A_25 = arith.constant 0 : index
    %swap3A_26 = arith.constant 0 : index
    %swap3A_27 = vector.load %arg6[%swap3A_25, %swap3A_26] : memref<8x64xf32, #tpu.memory_space<vmem>>, vector<1x64xf32>
    tpu.vector_store %arg6[%swap3A_25, %swap3A_26], %add3A_24 {strides = array<i32>} : memref<8x64xf32, #tpu.memory_space<vmem>>, vector<1x64xf32>,
    %get3A_28 = arith.constant 1 : index
    %get3A_29 = arith.constant 0 : index
    %get3A_30 = vector.load %arg6[%get3A_28, %get3A_29] : memref<8x64xf32, #tpu.memory_space<vmem>>, vector<1x64xf32>
    %mul3A_31 = arith.mulf %dot_general3A_17, %dot_general3A_17 : vector<2048x64xf32>
    %reduce_sum3A_32 = arith.constant dense<0.000000e+00> : vector<64xf32>
    %reduce_sum3A_33 = vector.multi_reduction <add>, %mul3A_31, %reduce_sum3A_32 [0] : vector<2048x64xf32> to vector<64xf32>
    %broadcast_in_dim3A_34 = vector.shape_cast %reduce_sum3A_33 : vector<64xf32> to vector<1x64xf32>
    %add3A_35 = arith.addf %get3A_30, %broadcast_in_dim3A_34 : vector<1x64xf32>
    %swap3A_36 = arith.constant 1 : index
    %swap3A_37 = arith.constant 0 : index
    %swap3A_38 = vector.load %arg6[%swap3A_36, %swap3A_37] : memref<8x64xf32, #tpu.memory_space<vmem>>, vector<1x64xf32>
    tpu.vector_store %arg6[%swap3A_36, %swap3A_37], %add3A_35 {strides = array<i32>} : memref<8x64xf32, #tpu.memory_space<vmem>>, vector<1x64xf32>,
    %eq3A_39 = arith.constant 127 : i32
    %eq3A_40 = arith.cmpi eq, %arg0, %eq3A_39 : i32
    %convert_element_type3A_41 = arith.extui %eq3A_40 : i1 to i32
    %cond3A_42 = arith.constant 0 : i32
    %cond3A_43 = arith.cmpi ne, %convert_element_type3A_41, %cond3A_42 : i32
    scf.if %cond3A_43 {
      %get3A_44 = arith.constant 0 : index
      %get3A_45 = arith.constant 0 : index
      %get3A_46 = vector.load %arg6[%get3A_44, %get3A_45] : memref<8x64xf32, #tpu.memory_space<vmem>>, vector<8x64xf32>
      %swap3A_47 = arith.constant 0 : index
      %swap3A_48 = arith.constant 0 : index
      %swap3A_49 = vector.load %arg5[%swap3A_47, %swap3A_48] : memref<8x64xf32, #tpu.memory_space<vmem>>, vector<8x64xf32>
      tpu.vector_store %arg5[%swap3A_47, %swap3A_48], %get3A_46 {strides = array<i32>} : memref<8x64xf32, #tpu.memory_space<vmem>>, vector<8x64xf32>,
    } else {
    }
    return
  }
  func.func @transform_0(%arg0: i32) -> (i32, i32) {
    %c0_i32 = arith.constant 0 : i32
    %c0_i32_0 = arith.constant 0 : i32
    return %arg0, %c0_i32 : i32, i32
  }
  func.func @transform_1(%arg0: i32) -> (i32, i32) {
    %c0_i32 = arith.constant 0 : i32
    %c0_i32_0 = arith.constant 0 : i32
    %c0_i32_1 = arith.constant 0 : i32
    return %c0_i32, %c0_i32_0 : i32, i32
  }
  func.func @transform_2(%arg0: i32) -> (i32, i32) {
    %c0_i32 = arith.constant 0 : i32
    %c0_i32_0 = arith.constant 0 : i32
    %c0_i32_1 = arith.constant 0 : i32
    return %c0_i32, %c0_i32_0 : i32, i32
  }
  func.func @transform_3(%arg0: i32) -> (i32, i32) {
    %c0_i32 = arith.constant 0 : i32
    %c0_i32_0 = arith.constant 0 : i32
    return %arg0, %c0_i32 : i32, i32
  }
  func.func @transform_4(%arg0: i32) -> (i32, i32) {
    %c0_i32 = arith.constant 0 : i32
    %c0_i32_0 = arith.constant 0 : i32
    %c0_i32_1 = arith.constant 0 : i32
    return %c0_i32, %c0_i32_0 : i32, i32
  }
}

module attributes {stable_mosaic.version = 14 : i64} {
  func.func @_passC_kernel(%arg0: i32, %arg1: memref<2048x64xf32, #tpu.memory_space<vmem>>, %arg2: memref<8x64xf32, #tpu.memory_space<vmem>>, %arg3: memref<64x128xf32, #tpu.memory_space<vmem>>, %arg4: memref<64x128xf32, #tpu.memory_space<vmem>>, %arg5: memref<64x128xf32, #tpu.memory_space<vmem>>, %arg6: memref<8x128xf32, #tpu.memory_space<vmem>>, %arg7: memref<8x128xf32, #tpu.memory_space<vmem>>) attributes {dimension_semantics = [#tpu.dimension_semantics<arbitrary>], iteration_bounds = array<i64: 128>, scalar_prefetch = 0 : i64, scratch_operands = 1 : i64, tpu.core_type = #tpu.core_type<tc>, window_params = [{transform_indices = @transform_0, window_bounds = array<i64: 2048, 64>}, {pipeline_mode = #tpu.pipeline_mode<synchronous>, transform_indices = @transform_1, window_bounds = array<i64: 8, 64>}, {pipeline_mode = #tpu.pipeline_mode<synchronous>, transform_indices = @transform_2, window_bounds = array<i64: 64, 128>}, {transform_indices = @transform_3, window_bounds = array<i64: 64, 128>}, {transform_indices = @transform_4, window_bounds = array<i64: 64, 128>}, {pipeline_mode = #tpu.pipeline_mode<synchronous>, transform_indices = @transform_5, window_bounds = array<i64: 8, 128>}]} {
    %eq3A = arith.constant 0 : i32
    %eq3A_0 = arith.cmpi eq, %arg0, %eq3A : i32
    %convert_element_type3A = arith.extui %eq3A_0 : i1 to i32
    %cond3A = arith.constant 0 : i32
    %cond3A_1 = arith.cmpi ne, %convert_element_type3A, %cond3A : i32
    scf.if %cond3A_1 {
      %broadcast_in_dim3A_49 = arith.constant 0.000000e+00 : f32
      %broadcast_in_dim3A_50 = vector.broadcast %broadcast_in_dim3A_49 : f32 to vector<8x128xf32>
      %swap3A_51 = arith.constant 0 : index
      %swap3A_52 = arith.constant 0 : index
      %swap3A_53 = vector.load %arg7[%swap3A_51, %swap3A_52] : memref<8x128xf32, #tpu.memory_space<vmem>>, vector<8x128xf32>
      tpu.vector_store %arg7[%swap3A_51, %swap3A_52], %broadcast_in_dim3A_50 {strides = array<i32>} : memref<8x128xf32, #tpu.memory_space<vmem>>, vector<8x128xf32>,
    } else {
    }
    %get3A = arith.constant 0 : index
    %get3A_2 = arith.constant 0 : index
    %get3A_3 = vector.load %arg2[%get3A, %get3A_2] : memref<8x64xf32, #tpu.memory_space<vmem>>, vector<1x64xf32>
    %get3A_4 = arith.constant 1 : index
    %get3A_5 = arith.constant 0 : index
    %get3A_6 = vector.load %arg2[%get3A_4, %get3A_5] : memref<8x64xf32, #tpu.memory_space<vmem>>, vector<1x64xf32>
    %get3A_7 = arith.constant 0 : index
    %get3A_8 = arith.constant 0 : index
    %get3A_9 = vector.load %arg1[%get3A_7, %get3A_8] : memref<2048x64xf32, #tpu.memory_space<vmem>>, vector<2048x64xf32>
    %mul3A = vector.broadcast %get3A_3 : vector<1x64xf32> to vector<2048x64xf32>
    %mul3A_10 = arith.mulf %get3A_9, %mul3A : vector<2048x64xf32>
    %add3A = vector.broadcast %get3A_6 : vector<1x64xf32> to vector<2048x64xf32>
    %add3A_11 = arith.addf %mul3A_10, %add3A : vector<2048x64xf32>
    %max3A = arith.constant 0.000000e+00 : f32
    %max3A_12 = vector.broadcast %max3A : f32 to vector<2048x64xf32>
    %max3A_13 = arith.maximumf %add3A_11, %max3A_12 : vector<2048x64xf32>
    %get3A_14 = arith.constant 0 : index
    %get3A_15 = arith.constant 0 : index
    %get3A_16 = vector.load %arg3[%get3A_14, %get3A_15] : memref<64x128xf32, #tpu.memory_space<vmem>>, vector<64x128xf32>
    %dot_general3A = arith.constant dense<0.000000e+00> : vector<2048x128xf32>
    %dot_general3A_17 = tpu.matmul %max3A_13, %get3A_16, %dot_general3A {dimension_numbers = #tpu.dot_dimension_numbers<[1], [0], [0], [1], [0, 0, 1, 1], [], []>, transpose_lhs_hint = false} : vector<2048x64xf32>, vector<64x128xf32>, vector<2048x128xf32> -> vector<2048x128xf32>
    %get3A_18 = arith.constant 0 : index
    %get3A_19 = arith.constant 0 : index
    %get3A_20 = vector.load %arg7[%get3A_18, %get3A_19] : memref<8x128xf32, #tpu.memory_space<vmem>>, vector<1x128xf32>
    %reduce_sum3A = arith.constant dense<0.000000e+00> : vector<128xf32>
    %reduce_sum3A_21 = vector.multi_reduction <add>, %dot_general3A_17, %reduce_sum3A [0] : vector<2048x128xf32> to vector<128xf32>
    %broadcast_in_dim3A = vector.shape_cast %reduce_sum3A_21 : vector<128xf32> to vector<1x128xf32>
    %add3A_22 = arith.addf %get3A_20, %broadcast_in_dim3A : vector<1x128xf32>
    %swap3A = arith.constant 0 : index
    %swap3A_23 = arith.constant 0 : index
    %swap3A_24 = vector.load %arg7[%swap3A, %swap3A_23] : memref<8x128xf32, #tpu.memory_space<vmem>>, vector<1x128xf32>
    tpu.vector_store %arg7[%swap3A, %swap3A_23], %add3A_22 {strides = array<i32>} : memref<8x128xf32, #tpu.memory_space<vmem>>, vector<1x128xf32>,
    %get3A_25 = arith.constant 1 : index
    %get3A_26 = arith.constant 0 : index
    %get3A_27 = vector.load %arg7[%get3A_25, %get3A_26] : memref<8x128xf32, #tpu.memory_space<vmem>>, vector<1x128xf32>
    %mul3A_28 = arith.mulf %dot_general3A_17, %dot_general3A_17 : vector<2048x128xf32>
    %reduce_sum3A_29 = arith.constant dense<0.000000e+00> : vector<128xf32>
    %reduce_sum3A_30 = vector.multi_reduction <add>, %mul3A_28, %reduce_sum3A_29 [0] : vector<2048x128xf32> to vector<128xf32>
    %broadcast_in_dim3A_31 = vector.shape_cast %reduce_sum3A_30 : vector<128xf32> to vector<1x128xf32>
    %add3A_32 = arith.addf %get3A_27, %broadcast_in_dim3A_31 : vector<1x128xf32>
    %swap3A_33 = arith.constant 1 : index
    %swap3A_34 = arith.constant 0 : index
    %swap3A_35 = vector.load %arg7[%swap3A_33, %swap3A_34] : memref<8x128xf32, #tpu.memory_space<vmem>>, vector<1x128xf32>
    tpu.vector_store %arg7[%swap3A_33, %swap3A_34], %add3A_32 {strides = array<i32>} : memref<8x128xf32, #tpu.memory_space<vmem>>, vector<1x128xf32>,
    %reshape3A = vector.shape_cast %dot_general3A_17 : vector<2048x128xf32> to vector<64x32x128xf32>
    %reduce_max3A = arith.constant dense<0xFF800000> : vector<64x128xf32>
    %reduce_max3A_36 = vector.multi_reduction <maximumf>, %reshape3A, %reduce_max3A [1] : vector<64x32x128xf32> to vector<64x128xf32>
    %swap3A_37 = arith.constant 0 : index
    %swap3A_38 = arith.constant 0 : index
    %swap3A_39 = vector.load %arg4[%swap3A_37, %swap3A_38] : memref<64x128xf32, #tpu.memory_space<vmem>>, vector<64x128xf32>
    tpu.vector_store %arg4[%swap3A_37, %swap3A_38], %reduce_max3A_36 {strides = array<i32>} : memref<64x128xf32, #tpu.memory_space<vmem>>, vector<64x128xf32>,
    %reduce_min3A = arith.constant dense<0x7F800000> : vector<64x128xf32>
    %reduce_min3A_40 = vector.multi_reduction <minimumf>, %reshape3A, %reduce_min3A [1] : vector<64x32x128xf32> to vector<64x128xf32>
    %swap3A_41 = arith.constant 0 : index
    %swap3A_42 = arith.constant 0 : index
    %swap3A_43 = vector.load %arg5[%swap3A_41, %swap3A_42] : memref<64x128xf32, #tpu.memory_space<vmem>>, vector<64x128xf32>
    tpu.vector_store %arg5[%swap3A_41, %swap3A_42], %reduce_min3A_40 {strides = array<i32>} : memref<64x128xf32, #tpu.memory_space<vmem>>, vector<64x128xf32>,
    %eq3A_44 = arith.constant 127 : i32
    %eq3A_45 = arith.cmpi eq, %arg0, %eq3A_44 : i32
    %convert_element_type3A_46 = arith.extui %eq3A_45 : i1 to i32
    %cond3A_47 = arith.constant 0 : i32
    %cond3A_48 = arith.cmpi ne, %convert_element_type3A_46, %cond3A_47 : i32
    scf.if %cond3A_48 {
      %get3A_49 = arith.constant 0 : index
      %get3A_50 = arith.constant 0 : index
      %get3A_51 = vector.load %arg7[%get3A_49, %get3A_50] : memref<8x128xf32, #tpu.memory_space<vmem>>, vector<8x128xf32>
      %swap3A_52 = arith.constant 0 : index
      %swap3A_53 = arith.constant 0 : index
      %swap3A_54 = vector.load %arg6[%swap3A_52, %swap3A_53] : memref<8x128xf32, #tpu.memory_space<vmem>>, vector<8x128xf32>
      tpu.vector_store %arg6[%swap3A_52, %swap3A_53], %get3A_51 {strides = array<i32>} : memref<8x128xf32, #tpu.memory_space<vmem>>, vector<8x128xf32>,
    } else {
    }
    return
  }
  func.func @transform_0(%arg0: i32) -> (i32, i32) {
    %c0_i32 = arith.constant 0 : i32
    %c0_i32_0 = arith.constant 0 : i32
    return %arg0, %c0_i32 : i32, i32
  }
  func.func @transform_1(%arg0: i32) -> (i32, i32) {
    %c0_i32 = arith.constant 0 : i32
    %c0_i32_0 = arith.constant 0 : i32
    %c0_i32_1 = arith.constant 0 : i32
    return %c0_i32, %c0_i32_0 : i32, i32
  }
  func.func @transform_2(%arg0: i32) -> (i32, i32) {
    %c0_i32 = arith.constant 0 : i32
    %c0_i32_0 = arith.constant 0 : i32
    %c0_i32_1 = arith.constant 0 : i32
    return %c0_i32, %c0_i32_0 : i32, i32
  }
  func.func @transform_3(%arg0: i32) -> (i32, i32) {
    %c0_i32 = arith.constant 0 : i32
    %c0_i32_0 = arith.constant 0 : i32
    return %arg0, %c0_i32 : i32, i32
  }
  func.func @transform_4(%arg0: i32) -> (i32, i32) {
    %c0_i32 = arith.constant 0 : i32
    %c0_i32_0 = arith.constant 0 : i32
    return %arg0, %c0_i32 : i32, i32
  }
  func.func @transform_5(%arg0: i32) -> (i32, i32) {
    %c0_i32 = arith.constant 0 : i32
    %c0_i32_0 = arith.constant 0 : i32
    %c0_i32_1 = arith.constant 0 : i32
    return %c0_i32, %c0_i32_0 : i32, i32
  }
}

module attributes {stable_mosaic.version = 14 : i64} {
  func.func @_passD2_kernel(%arg0: memref<8192x128xf32, #tpu.memory_space<vmem>>, %arg1: memref<8192x128xf32, #tpu.memory_space<vmem>>, %arg2: memref<8x128xf32, #tpu.memory_space<vmem>>, %arg3: memref<8192x128xf32, #tpu.memory_space<vmem>>) attributes {dimension_semantics = [], scalar_prefetch = 0 : i64, scratch_operands = 0 : i64, tpu.core_type = #tpu.core_type<tc>} {
    %get3A = arith.constant 0 : index
    %get3A_0 = arith.constant 0 : index
    %get3A_1 = vector.load %arg2[%get3A, %get3A_0] : memref<8x128xf32, #tpu.memory_space<vmem>>, vector<1x128xf32>
    %get3A_2 = arith.constant 1 : index
    %get3A_3 = arith.constant 0 : index
    %get3A_4 = vector.load %arg2[%get3A_2, %get3A_3] : memref<8x128xf32, #tpu.memory_space<vmem>>, vector<1x128xf32>
    %get3A_5 = arith.constant 0 : index
    %get3A_6 = arith.constant 0 : index
    %get3A_7 = vector.load %arg0[%get3A_5, %get3A_6] : memref<8192x128xf32, #tpu.memory_space<vmem>>, vector<8192x128xf32>
    %mul3A = vector.broadcast %get3A_1 : vector<1x128xf32> to vector<8192x128xf32>
    %mul3A_8 = arith.mulf %get3A_7, %mul3A : vector<8192x128xf32>
    %add3A = vector.broadcast %get3A_4 : vector<1x128xf32> to vector<8192x128xf32>
    %add3A_9 = arith.addf %mul3A_8, %add3A : vector<8192x128xf32>
    %max3A = arith.constant 0.000000e+00 : f32
    %max3A_10 = vector.broadcast %max3A : f32 to vector<8192x128xf32>
    %max3A_11 = arith.maximumf %add3A_9, %max3A_10 : vector<8192x128xf32>
    %get3A_12 = arith.constant 0 : index
    %get3A_13 = arith.constant 0 : index
    %get3A_14 = vector.load %arg1[%get3A_12, %get3A_13] : memref<8192x128xf32, #tpu.memory_space<vmem>>, vector<8192x128xf32>
    %mul3A_15 = vector.broadcast %get3A_1 : vector<1x128xf32> to vector<8192x128xf32>
    %mul3A_16 = arith.mulf %get3A_14, %mul3A_15 : vector<8192x128xf32>
    %add3A_17 = vector.broadcast %get3A_4 : vector<1x128xf32> to vector<8192x128xf32>
    %add3A_18 = arith.addf %mul3A_16, %add3A_17 : vector<8192x128xf32>
    %max3A_19 = arith.constant 0.000000e+00 : f32
    %max3A_20 = vector.broadcast %max3A_19 : f32 to vector<8192x128xf32>
    %max3A_21 = arith.maximumf %add3A_18, %max3A_20 : vector<8192x128xf32>
    %gt3A = arith.constant 0.000000e+00 : f32
    %gt3A_22 = vector.broadcast %gt3A : f32 to vector<1x128xf32>
    %gt3A_23 = arith.cmpf ogt, %get3A_1, %gt3A_22 : vector<1x128xf32>
    %broadcast_in_dim3A = vector.shape_cast %gt3A_23 : vector<1x128xi1> to vector<1x128xi1>
    %broadcast_in_dim3A_24 = vector.broadcast %broadcast_in_dim3A : vector<1x128xi1> to vector<8192x128xi1>
    %select_n3A = arith.select %broadcast_in_dim3A_24, %max3A_11, %max3A_21 : vector<8192x128xi1>, vector<8192x128xf32>
    %swap3A = arith.constant 0 : index
    %swap3A_25 = arith.constant 0 : index
    %swap3A_26 = vector.load %arg3[%swap3A, %swap3A_25] : memref<8192x128xf32, #tpu.memory_space<vmem>>, vector<8192x128xf32>
    tpu.vector_store %arg3[%swap3A, %swap3A_25], %select_n3A {strides = array<i32>} : memref<8192x128xf32, #tpu.memory_space<vmem>>, vector<8192x128xf32>,
    return
  }
}

</mosaic_0001>

<sc_bundles>
// kernel: kernel.9.cloned.1.call-start
scs
__scs_entry_jumppad:
0x0: {  	(pc) =	sbr.rel $0x88, $3  }
0x1: {  	(tag) =	ssettag $0x0;
	lr =	simm.s32 $0x1  }
0x2: {  	[smem:$0x3F96] =	sst lr;
	_ =	strace $0xD0000000  }
0x3: {  	_ = 	snop  }
0x4: {  	_ = 	snop  }
0x5: {  	_ = 	snop  }
0x6: {  	_ = 	snop  }
0x7: {  	_ = 	snop  }
__scs_overlays_trampoline_lowered:
0x8: {  	[smem:$0x3FA5] =	sst s0  }
0x9: {  	[smem:$0x3FA6] =	sst s1  }
0xa: {  	[smem:$0x3FA7] =	sst s2  }
0xb: {  	[smem:$0x3FA8] =	sst s3  }
0xc: {  	[smem:$0x3FA9] =	sst s4  }
0xd: {  	[smem:$0x3FAA] =	sst s5  }
0xe: {  	[smem:$0x3FAB] =	sst s6  }
0xf: {  	[smem:$0x3FAC] =	sst s7  }
0x10: {  	[smem:$0x3FAD] =	sst s8  }
0x11: {  	[smem:$0x3FAE] =	sst s9;
	s0 =	simm.s32 @!p0 $0x0  }
0x12: {  	s1 =	sld [smem:$0x3F94];
	s0 =	simm.s32 @p0 $0x1  }
0x13: {  	[smem:$0x3FAF] =	sst s0;
	s0 =	simm.s32 @!p1 $0x0  }
0x14: {  	s2 =	sld [smem:$0x3F93];
	s0 =	simm.s32 @p1 $0x1  }
0x15: {  	[smem:$0x3FB0] =	sst s0;
	s0 =	simm.s32 @!p2 $0x0  }
0x16: {  	s3 =	sld [smem:$0x3FDB];
	s0 =	simm.s32 @p2 $0x1  }
0x17: {  	s4 =	simm.s32 $0x1BF5;
	[smem:$0x3FB2] =	sst s0  }
0x18: {  	s0 =	sld [smem:$0x3F95];
	_ =	swait.ge [sflag:s4], $0x0  }
0x19: {  	s7 =	sld [smem:$0x3F96]  }
0x1a: {  	s8 =	sadd.s32 $0xFFFFE003, lr  }
0x1b: {  	s9 =	sadd.s32 $0xFFFFFEF7, lr;
	s5 =	simm.s32 $0xFFFFFFFF;
	p2 =	slt.u32 s8, $0xFFFFF086  }
0x1c: {  	p1 =	slt.u32 s9, $0xF7A;
	s5 =	simm.s32 @!p2 $0x0  }
0x1d: {  	s5 =	simm.s32 @p1 $0x1;
	p0 =	seq.s32 s7, s2  }
0x1e: {  	s7 =	smul.u32 @!p0 $0xF7A, s2;
	p2 =	seq.s32 @!p0 s5, $0x0  }
0x1f: {  	s9 =	smul.u32 $0xF7A, s1;
	s8 =	simm.s32 @!p0 $0x1BF5;
	p2 =	por !p2, p0  }
0x20: {  	[sflag:s8] =	ssyncset.s32 @!p0 $0xFFFFF086;
	s6 =	sadd.s32 @!p0 s3, s7;
	s7 =	simm.s32 @!p0 $0x108  }
0x21: {  	s3 =	sadd.s32 s3, s9;
	s6 =	sadd.s32 @!p0 $0x88, s6;
	s7 =	simm.s32 @p2 $0x1082  }
0x22: {  	[simem:s7], [sflag:s8] =	dma.local @!p0 [hbm:s6], $0xF7A  }
0x23: {  	s9 =	sor.u32 $0xD0000000, s2;
	s6 =	simm.s32 $0x108;
	_ =	swait.ge @!p0 [sflag:s8], $0x0  }
0x24: {  	s3 =	sadd.s32 $0x88, s3;
	s6 =	simm.s32 @!p1 $0x1082;
	[sflag:s4] =	ssyncset.s32 $0xFFFFF086  }
0x25: {  	[simem:s6], [sflag:s4] =	dma.local [hbm:s3], $0xF7A  }
0x26: {  	[smem:$0x3F96] =	sst s1;
	(tag) =	ssettag s2;
	_ =	strace s9  }
0x27: {  	s1 =	sld [smem:$0x3FA6]  }
0x28: {  	s2 =	sld [smem:$0x3FA7]  }
0x29: {  	s4 =	sld [smem:$0x3FA9]  }
0x2a: {  	p0 =	seq.s32 s5, $0x0;
	s5 =	sld [smem:$0x3FAA]  }
0x2b: {  	s6 =	sld [smem:$0x3FAB]  }
0x2c: {  	s7 =	sld [smem:$0x3FAC]  }
0x2d: {  	s3 =	simm.s32 $0x108;
	s8 =	sld [smem:$0x3FAD]  }
0x2e: {  	s3 =	simm.s32 @!p0 $0x1082;
	s9 =	sld [smem:$0x3FAE]  }
0x2f: {  	lr =	sadd.s32 s0, s3;
	s0 =	sld [smem:$0x3FA5]  }
0x30: {  	s3 =	sld [smem:$0x3FA8]  }
0x31: {  	[smem:$0x3FB1] =	sst s10  }
0x32: {  	s10 =	sld [smem:$0x3FAF];
	_ =	sdelay $0x3  }
0x33: {  	p0 =	seq.s32 s10, $0x1;
	s10 =	sld [smem:$0x3FB1];
	_ =	sdelay $0x3  }
0x34: {  	[smem:$0x3FB1] =	sst s10  }
0x35: {  	s10 =	sld [smem:$0x3FB0];
	_ =	sdelay $0x3  }
0x36: {  	p1 =	seq.s32 s10, $0x1;
	s10 =	sld [smem:$0x3FB1];
	_ =	sdelay $0x3  }
0x37: {  	[smem:$0x3FB1] =	sst s10  }
0x38: {  	s10 =	sld [smem:$0x3FB2]  }
0x39: {  	_ = 	snop;
	(pc) =	sbr.ind lr, $3  }
0x3a: {  	_ = 	snop  }
0x3b: {  	_ = 	snop  }
0x3c: {  	p2 =	seq.s32 s10, $0x1;
	s10 =	sld [smem:$0x3FB1]  }
0x3d: {  	_ =	shalt  }
0x3e: {  	_ =	shalt  }
0x3f: {  	_ =	shalt  }
0x40: {  	_ =	shalt  }
0x41: {  	_ =	shalt  }
0x42: {  	_ =	shalt  }
0x43: {  	_ =	shalt  }
0x44: {  	_ =	shalt  }
0x45: {  	_ =	shalt  }
0x46: {  	_ =	shalt  }
0x47: {  	_ =	shalt  }
0x48: {  	_ =	shalt  }
0x49: {  	_ =	shalt  }
0x4a: {  	_ =	shalt  }
0x4b: {  	_ =	shalt  }
0x4c: {  	_ =	shalt  }
0x4d: {  	_ =	shalt  }
0x4e: {  	_ =	shalt  }
0x4f: {  	_ =	shalt  }
0x50: {  	_ =	shalt  }
0x51: {  	_ =	shalt  }
0x52: {  	_ =	shalt  }
0x53: {  	_ =	shalt  }
0x54: {  	_ =	shalt  }
0x55: {  	_ =	shalt  }
0x56: {  	_ =	shalt  }
0x57: {  	_ =	shalt  }
0x58: {  	_ =	shalt  }
0x59: {  	_ =	shalt  }
0x5a: {  	_ =	shalt  }
0x5b: {  	_ =	shalt  }
0x5c: {  	_ =	shalt  }
0x5d: {  	_ =	shalt  }
0x5e: {  	_ =	shalt  }
0x5f: {  	_ =	shalt  }
0x60: {  	_ =	shalt  }
0x61: {  	_ =	shalt  }
0x62: {  	_ =	shalt  }
0x63: {  	_ =	shalt  }
0x64: {  	_ =	shalt  }
0x65: {  	_ =	shalt  }
0x66: {  	_ =	shalt  }
0x67: {  	_ =	shalt  }
0x68: {  	_ =	shalt  }
0x69: {  	_ =	shalt  }
0x6a: {  	_ =	shalt  }
0x6b: {  	_ =	shalt  }
0x6c: {  	_ =	shalt  }
0x6d: {  	_ =	shalt  }
0x6e: {  	_ =	shalt  }
0x6f: {  	_ =	shalt  }
0x70: {  	_ =	shalt  }
0x71: {  	_ =	shalt  }
0x72: {  	_ =	shalt  }
0x73: {  	_ =	shalt  }
0x74: {  	_ =	shalt  }
0x75: {  	_ =	shalt  }
0x76: {  	_ =	shalt  }
0x77: {  	_ =	shalt  }
0x78: {  	_ =	shalt  }
0x79: {  	_ =	shalt  }
0x7a: {  	_ =	shalt  }
0x7b: {  	_ =	shalt  }
0x7c: {  	_ =	shalt  }
0x7d: {  	_ =	shalt  }
0x7e: {  	_ =	shalt  }
0x7f: {  	_ =	shalt  }
0x80: {  	_ =	shalt  }
0x81: {  	_ =	shalt  }
0x82: {  	_ =	shalt  }
0x83: {  	_ =	shalt  }
0x84: {  	_ =	shalt  }
0x85: {  	_ =	shalt  }
0x86: {  	_ =	shalt  }
0x87: {  	_ =	shalt  }
.Lfunc_end0:
.L_simem_size_0:
called_computation_lowered:
.L_overlay_start_0:
0x88: {  	s2 =	sld [smem:$0x3FD9]  }
0x89: {  	s3 =	sld [smem:$0x3FFE];
	_ =	sdelay $0x1  }
0x8a: {  	s1 =	srdreg.scid  }
0x8b: {  	s0 =	sand.u32 $0x1, s1  }
0x8c: {  	s14 =	sshll.u32 s0, $0xA;
	s2 =	sadd.s32 s3, s2  }
0x8d: {  	s2 =	sadd.s32 s2, s14  }
0x8e: {  	[smem:$0x3FBD] =	sst s2  }
0x8f: {  	_ = 	snop  }
0x90: {  	s2 =	sld [smem:$0x3FD0];
	_ =	sdelay $0x2  }
0x91: {  	s15 =	simm.s32 $0xA;
	s4 =	simm.s32 $0x10  }
0x92: {  	[smem:s4], [sflag:s15] =	dma.local [hbm:s2], $0x1  }
0x93: {  	_ =	swait.eq [sflag:s15], $0x1  }
0x94: {  	[sflag:s15] =	ssyncset.done $0x0  }
0x95: {  	[sflag:s15] =	ssyncadd.s32 $0xFFFFFFFF  }
0x96: {  	s16 =	sld [smem:$0x11];
	(tm) =	ssettm $0x1  }
0x97: {  	s17 =	sld [smem:$0x3FFB];
	_ =	sdelay $0x3  }
0x98: {  	_ =	strace s17  }
0x99: {  	s3 =	sld [smem:$0x3FFC];
	_ =	sdelay $0x3  }
0x9a: {  	_ =	strace s3  }
0x9b: {  	s3 =	sld [smem:$0x3FFD];
	_ =	sdelay $0x3  }
0x9c: {  	_ =	strace s3  }
0x9d: {  	_ =	strace $0x8FFFFFFF  }
0x9e: {  	s18 =	sld [smem:$0x3FDB];
	_ =	sdelay $0x1  }
0x9f: {  	s19 =	simm.s32 $_scs_section_size  }
0xa0: {  	s5 =	simm.s32 $_size__tile_overlayer_lowered;
	s6 =	simm.s32 $_tile_overlayer_lowered  }
0xa1: {  	s22 =	simm.s32 $0x1BFF;
	s21 =	sshll.u32 s6, $0x1;
	s3 =	sadd.s32 s19, s18  }
0xa2: {  	s7 =	simm.s32 $0x0;
	s20 =	sshll.u32 s5, $0x1;
	s5 =	sadd.s32 s21, s3  }
0xa3: {  	[timem:s7], [sflag:s22] =	dma.local [hbm:s5], s20  }
0xa4: {  	_ =	swait.ge [sflag:s22], s20  }
0xa5: {  	s4 =	ssub.s32 $0x0, s20;
	[sflag:s22] =	ssyncset.done $0x0  }
0xa6: {  	[sflag:s22] =	ssyncadd.s32 s4;
	_ =	sdelay $0x1  }
0xa7: {  	s23 =	simm.s32 $0x1B8B  }
0xa8: {  	_ =	swait.ge [sflag:s23], $0x1  }
0xa9: {  	[sflag:s23] =	ssyncset.done $0x0  }
0xaa: {  	s25 =	simm.s32 $0x1B8E;
	s24 =	sld [smem:$0x3FFE];
	[sflag:s23] =	ssyncadd.s32 $0xFFFFFFFF  }
0xab: {  	s26 =	simm.s32 $execute0_lowered;
	[smem:$0x3FD2] =	sst s25  }
0xac: {  	s5 =	sshll.u32 s26, $0x1;
	_ =	strace $0x80000046;
	[dreg:$0x1] =	wrdreg $0xFFFFFFFF  }
0xad: {  	s28 =	simm.s32 $_size_execute0_lowered;
	s3 =	sadd.s32 s3, s5;
	[dreg:$0x0] =	wrdreg $0x0  }
0xae: {  	s5 =	sshll.u32 s28, $0x1;
	[dreg:$0x2] =	wrdreg s3  }
0xaf: {  	[dreg:$0x3] =	wrdreg s5  }
0xb0: {  	[dreg:$0x4] =	wrdreg $0xC0  }
0xb1: {  	_ =	task [dreg:s7], $0x5FFFF  }
0xb2: {  	[dreg:$0x1] =	wrdreg $0xFFFFFFFF  }
0xb3: {  	[dreg:$0x0] =	wrdreg $0x60  }
0xb4: {  	[dreg:$0x2] =	wrdreg s24  }
0xb5: {  	[dreg:$0x3] =	wrdreg s16  }
0xb6: {  	[dreg:$0x4] =	wrdreg $0x9  }
0xb7: {  	_ =	task.clear_ibuf [dreg:s7], $0x5FFFF;
	_ =	strace $0x90000046  }
0xb8: {  	s29 =	simm.s32 $0x9;
	_ =	strace $0x80000048  }
0xb9: {  	_ =	swait.ge [sflag:s29], $0x1  }
0xba: {  	[sflag:s29] =	ssyncadd.s32 $0xFFFFFFFF  }
0xbb: {  	_ =	strace $0x90000048  }
0xbc: {  	_ =	sfence  }
0xbd: {  	s30 =	sld [smem:$0x0];
	_ =	sdelay $0x2  }
0xbe: {  	s31 =	sshll.u32 s1, $0xD;
	s1 =	sshrl.u32 s1, $0x2  }
0xbf: {  	s3 =	sand.u32 $0x4000, s31;
	s1 =	sadd.s32 s1, s30  }
0xc0: {  	s0 =	sor.u32 s3, s0;
	s1 =	sshll.u32 s1, $0x11  }
0xc1: {  	s0 =	sor.u32 s1, s0  }
0xc2: {  	s0 =	sadd.s32 $0x8F2B, s0  }
0xc3: {  	[sflag:s0] =	ssyncadd.remote.s32 $0x1  }
0xc4: {  	_ =	sfence.sel $0xFFFF  }
0xc5: {  	[dreg:$0x0] =	wrdreg $0xFFFFFFFF;
	(pc) =	sbr.abs _section_cstart, $3  }
0xc6: {  	[dreg:$0x1] =	wrdreg $0xFFFFFFFF  }
0xc7: {  	_ =	task.clear_ibuf [dreg:s7], $0x2FFFF;
	_ =	strace $0x9FFFFFFF  }
0xc8: {  	(tm) =	ssettm $0x7FFFFFFF  }
0xc9: {  	_ =	shalt  }
tec
execute0_lowered:
.L_overlay_start_1:
0x0: {  	(tag) =	ssettag $0x1  }
0x1: {  	s4 =	rddreg [dreg:$0x0]  }
0x2: {  	s6 =	rddreg [dreg:$0x1]  }
0x3: {  	s0 =	rddreg [dreg:$0x2];
	s2 =	simm.s32 $0x0;
	s1 =	stileid.u32  }
0x4: {  	s3 =	srdreg.scid;
	[smem:$0x7FF] =	sst s2  }
0x5: {  	s5 =	sshll.u32 s1, $0x12;
	s7 =	sand.u32 $0x1, s3;
	s3 =	sadd.s32 $0x3000, s4  }
0x6: {  	s9 =	sshll.u32 s1, $0xE;
	_ =	strace $0x80000047;
	s5 =	sadd.s32 s5, s4  }
0x7: {  	s29 =	ssub.s32 $0x2, s7;
	s10 =	sshll.u32 s7, $0xD;
	s7 =	sshll.u32 s7, $0x11  }
0x8: {  	s8 =	sshrl.u32 s29, $0x1;
	s30 =	sor.u32 s10, s9;
	s5 =	sadd.s32 s7, s5  }
0x9: {  	s7 =	simm.s32 $0x2;
	s9 =	simm.s32 $0x1;
	s10 =	simm.s32 $0x0  }
0xa: {  	s4 =	ssub.s32 s29, s8;
	s31 =	sshrl.u32 s30, $0x3;
	s5 =	sadd.s32 $0x83000, s5  }
0xb: {  	s8 =	simm.s32 $0x200;
	s4 =	smax.u32 s4, $0x1;
	s6 =	sadd.s32 s31, s6  }
.LBB2_1:
0xc: {  	s11 =	sadd.s32 $0x0, s6  }
0xd: {  	[tilespmem:s2], [sflag:$0x2] =	stream.linear.gather [hbm4b:s11+s2], $0x200, $0x38;
	[tilespmem:$0x10200] =	vst v63  }
0xe: {  	_ =	swait.ge [sflag:s7], $0x200  }
0xf: {  	[sflag:s7] =	ssyncset.done $0x0  }
0x10: {  	[sflag:s7] =	ssyncadd.s32 $0xFFFFFE00  }
0x11: {  	[tilespmem:s8], [sflag:$0x1] =	stream.indirect.gather [hbm4b:s3+s8], $0x80, s2, s8, $0xb8;
	[tilespmem:$0x10200] =	vst v63  }
0x12: {  	_ =	swait.ge [sflag:s9], $0x10000  }
0x13: {  	[sflag:s9] =	ssyncset.done $0x0  }
0x14: {  	[sflag:s9] =	ssyncadd.s32 $0xFFFF0000  }
0x15: {  	[hbm4b:s5+s2] =	stream.linear.scatter [tilespmem:s8], [sflag:$0x2], $0x10000, $0x38;
	[tilespmem:$0x10200] =	vst v63  }
0x16: {  	s12 =	simm.s32 $0x40;
	_ =	swait.ge [sflag:s7], $0x10000  }
0x17: {  	s13 =	simm.s32 $0x80;
	s11 =	sadd.s32 $0x2000, s5;
	[sflag:s7] =	ssyncset.done $0x0  }
.LBB2_2:
0x18: {  	s14 =	sadd.s32 s12, s6  }
0x19: {  	[sflag:s7] =	ssyncadd.s32 $0xFFFF0000;
	s12 =	smov.u32 s13;
	s15 =	sadd.s32 $0x40, s13  }
0x1a: {  	[tilespmem:s2], [sflag:$0x2] =	stream.linear.gather [hbm4b:s14+s2], $0x200, $0x38;
	[tilespmem:$0x10200] =	vst v63  }
0x1b: {  	p0 =	sne.s32 s13, $0x3C0;
	_ =	swait.ge [sflag:s7], $0x200  }
0x1c: {  	[sflag:s7] =	ssyncset.done $0x0  }
0x1d: {  	[sflag:s7] =	ssyncadd.s32 $0xFFFFFE00  }
0x1e: {  	[tilespmem:s8], [sflag:$0x1] =	stream.indirect.gather [hbm4b:s3+s8], $0x80, s2, s8, $0xb8;
	[tilespmem:$0x10200] =	vst v63  }
0x1f: {  	_ =	swait.ge [sflag:s9], $0x10000  }
.Ltmp0:
0x20: {  	[sflag:s9] =	ssyncset.done $0x0;
	(pc) =	sbr.rel @p0 .LBB2_2-.Ltmp0, $4  }
0x21: {  	[sflag:s9] =	ssyncadd.s32 $0xFFFF0000  }
0x22: {  	[hbm4b:s11+s2] =	stream.linear.scatter [tilespmem:s8], [sflag:$0x2], $0x10000, $0x38;
	[tilespmem:$0x10200] =	vst v63  }
0x23: {  	_ =	swait.ge [sflag:s7], $0x10000  }
0x24: {  	s13 =	smov.u32 s15;
	s11 =	sadd.s32 $0x2000, s11;
	[sflag:s7] =	ssyncset.done $0x0  }
0x25: {  	s12 =	sadd.s32 s12, s6;
	[sflag:s7] =	ssyncadd.s32 $0xFFFF0000  }
0x26: {  	[tilespmem:s2], [sflag:$0x2] =	stream.linear.gather [hbm4b:s12+s2], $0x200, $0x38;
	[tilespmem:$0x10200] =	vst v63  }
0x27: {  	_ =	swait.ge [sflag:s7], $0x200  }
0x28: {  	[sflag:s7] =	ssyncset.done $0x0  }
0x29: {  	[sflag:s7] =	ssyncadd.s32 $0xFFFFFE00  }
0x2a: {  	[tilespmem:s8], [sflag:$0x1] =	stream.indirect.gather [hbm4b:s3+s8], $0x80, s2, s8, $0xb8;
	[tilespmem:$0x10200] =	vst v63  }
0x2b: {  	s10 =	sadd.s32 $0x1, s10;
	_ =	swait.ge [sflag:s9], $0x10000  }
0x2c: {  	p0 =	sne.s32 s10, s4;
	[sflag:s9] =	ssyncset.done $0x0  }
.Ltmp1:
0x2d: {  	[sflag:s9] =	ssyncadd.s32 $0xFFFF0000;
	(pc) =	sbr.rel @p0 .LBB2_1-.Ltmp1, $4  }
0x2e: {  	[hbm4b:s11+s2] =	stream.linear.scatter [tilespmem:s8], [sflag:$0x2], $0x10000, $0x38;
	[tilespmem:$0x10200] =	vst v63  }
0x2f: {  	_ =	swait.ge [sflag:s7], $0x10000  }
0x30: {  	[sflag:s7] =	ssyncset.done $0x0  }
0x31: {  	[sflag:s7] =	ssyncadd.s32 $0xFFFF0000  }
0x32: {  	_ =	sfence.sel $0x180000  }
0x33: {  	[bflag:$0x0] =	sbarrier.arrive $0xFFFF  }
0x34: {  	p0 =	sne.s32 s1, $0x0;
	_ =	strace $0x90000047  }
0x35: {  	s0 =	sadd.s32 @!p0 $0x100000, s0;
	[bflag:$0x2] =	sbarrier.arrive $0xFFFF  }
0x36: {  	[sflag:s0] =	ssyncadd.tile.s32 @!p0 $0x1;
	_ =	shalt  }
.Lfunc_end2:
_tile_overlayer_lowered:
.L_overlay_start_2:
0x37: {  	(tag) =	ssettag $0x2  }
0x38: {  	s0 =	rddreg [dreg:$0x0];
	s2 =	stileid.u32  }
0x39: {  	s1 =	rddreg [dreg:$0x1];
	p0 =	sne.s32 s2, $0x0  }
0x3a: {  	s3 =	rddreg [dreg:$0x2];
	[bflag:$0x3] =	sbarrier.arrive $0xFFFF;
	s2 =	simm.s32 @!p0 $0x1C02  }
0x3b: {  	[timem:s3], [sflag:s2] =	dma.local @!p0 [hbm:s0], s1  }
0x3c: {  	s0 =	simm.s32 @!p0 $0x2  }
0x3d: {  	_ =	swait.ge @!p0 [sflag:s0], s1  }
0x3e: {  	s1 =	ssub.s32 @!p0 $0x0, s1;
	[sflag:s0] =	ssyncset.done @!p0 $0x0  }
0x3f: {  	[sflag:s0] =	ssyncadd.s32 @!p0 s1  }
0x40: {  	[bflag:$0x3] =	sbarrier.arrive $0xFFFF  }
0x41: {  	_ =	shalt  }

</sc_bundles>
